<compile_context>
chip_gen: v7x
topology: tpu7x:2x2x1
jax: 0.10.2.dev20260603
libtpu: 0.0.44.dev20260713+nightly
codegen_flags: <defaults>
</compile_context>

<pallas_src>
import functools

import jax
import jax.numpy as jnp
from jax import lax
from jax.experimental import pallas as pl
from jax.experimental.pallas import tpu as pltpu
from jax.experimental.pallas import tpu_sc as plsc

N = 10000
E = 320000
D = 128
H = 4
C = 32
NEG = 0.2
EPS = 1e-5

NC = 2
NS = 16
L = 16
NW = NC * NS
EPW = E // NW
B = 40
NB = EPW // B
NP = 10240
NPS = NP // 32
TROWS = NP + NPS

_sc_mesh = plsc.VectorSubcoreMesh(
    core_axis_name="c", subcore_axis_name="s", num_cores=NC, num_subcores=NS)


def _prep_body(x_ref, wl_ref, bl_ref, wr_ref, br_ref, attb_ref, smask_ref,
               rmask_ref, tab_ref, num0_ref, e0_ref):
    x = x_ref[...]
    xl = jnp.dot(x, wl_ref[...], preferred_element_type=jnp.float32) + bl_ref[...]
    xr = jnp.dot(x, wr_ref[...], preferred_element_type=jnp.float32) + br_ref[...]
    tab_ref[:N, :] = xl
    tab_ref[N:, :] = xr
    m = xl + xr
    act = jnp.where(m > 0, m, NEG * m)
    ta = act * attb_ref[...]
    logits = jnp.dot(ta, smask_ref[...], preferred_element_type=jnp.float32)
    e0 = jnp.exp(logits)
    eb = jnp.dot(e0, rmask_ref[...], preferred_element_type=jnp.float32)
    num0_ref[...] = xl * eb
    e0_ref[...] = e0


def _fin_body(p0_ref, p1_ref, s0_ref, s1_ref, num0_ref, e0_ref, x_ref,
              ab_ref, rmask_ref, w1_ref, b1_ref, w2_ref, b2_ref,
              g1_ref, be1_ref, g2_ref, be2_ref, out_ref):
    num = p0_ref[:N, :] + p1_ref[:N, :] + num0_ref[...]
    s = s0_ref[:N, :] + s1_ref[:N, :] + e0_ref[...]
    sb = jnp.dot(s, rmask_ref[...], preferred_element_type=jnp.float32)
    attn = num / sb + ab_ref[...]
    y = attn + x_ref[...]
    mu = jnp.mean(y, axis=0, keepdims=True)
    dy = y - mu
    var = jnp.mean(dy * dy, axis=0, keepdims=True)
    h = g1_ref[...] * dy * lax.rsqrt(var + EPS) + be1_ref[...]
    f1 = jnp.maximum(
        jnp.dot(h, w1_ref[...], preferred_element_type=jnp.float32)
        + b1_ref[...], 0.0)
    f = jnp.dot(f1, w2_ref[...], preferred_element_type=jnp.float32) + b2_ref[...]
    z = f + h
    mu2 = jnp.mean(z, axis=0, keepdims=True)
    dz = z - mu2
    var2 = jnp.mean(dz * dz, axis=0, keepdims=True)
    out_ref[...] = g2_ref[...] * dz * lax.rsqrt(var2 + EPS) + be2_ref[...]


@functools.partial(
    pl.kernel,
    out_type=(
        jax.ShapeDtypeStruct((NC, NP, D), jnp.float32),
        jax.ShapeDtypeStruct((NC, NPS, D), jnp.float32),
    ),
    mesh=_sc_mesh,
    scratch_types=[
        pltpu.VMEM((2 * B,), jnp.int32),
        pltpu.VMEM((2 * B,), jnp.int32),
        pltpu.VMEM((2 * B, D), jnp.float32),
        pltpu.VMEM((2 * B, D), jnp.float32),
        pltpu.VMEM((2 * B, D), jnp.float32),
        pltpu.VMEM((2 * B, D), jnp.float32),
        pltpu.VMEM((2 * B,), jnp.int32),
        pltpu.VMEM((2 * B,), jnp.int32),
        pltpu.VMEM((D,), jnp.float32),
        pltpu.SemaphoreType.DMA,
        pltpu.SemaphoreType.DMA,
        pltpu.SemaphoreType.DMA,
        pltpu.SemaphoreType.DMA,
        pltpu.SemaphoreType.DMA,
        pltpu.SemaphoreType.DMA,
        pltpu.VMEM_SHARED((TROWS, D), jnp.float32),
    ],
    compiler_params=pltpu.CompilerParams(needs_layout_passes=False),
)
def _sc_edge(tab_hbm, idx_hbm, attb_hbm, zeros_hbm, out_hbm, outs_hbm,
             idxs0, idxs1, xab0, xab1, cte0, cte1, sidx0, sidx1, att_v,
             semi0, semi1, semg0, semg1, semsc0, semsc1, acc_sh):
    cid = lax.axis_index("c")
    sid = lax.axis_index("s")
    wid = sid * NC + cid

    idxs = (idxs0, idxs1)
    xab = (xab0, xab1)
    cte = (cte0, cte1)
    sidx = (sidx0, sidx1)
    semi = (semi0, semi1)
    semg = (semg0, semg1)
    semsc = (semsc0, semsc1)

    nr = NP // NS
    pltpu.sync_copy(zeros_hbm, acc_sh.at[pl.ds(sid * nr, nr)])

    @pl.when(sid < 8)
    def _zs():
        dr = NPS // 8
        pltpu.sync_copy(zeros_hbm.at[pl.ds(0, dr)],
                        acc_sh.at[pl.ds(NP + sid * dr, dr)])

    pltpu.sync_copy(attb_hbm, att_v)
    pltpu.sync_copy(idx_hbm.at[wid].at[0], idxs0)
    pltpu.async_copy(idx_hbm.at[wid].at[1], idxs1, semi1)
    plsc.subcore_barrier()

    lane = lax.iota(jnp.int32, L)
    fmask = [(lane == h).astype(jnp.float32) for h in range(H)]
    lane4 = lane & 3
    m4 = lane < 4
    attv = [att_v[pl.ds(v * L, L)] for v in range(8)]
    zero16 = jnp.zeros((L,), jnp.float32)

    def issue_gather(slot):
        pltpu.async_copy(tab_hbm.at[idxs[slot]], xab[slot], semg[slot])

    def wait_gather(slot):
        pltpu.make_async_copy(tab_hbm.at[idxs[slot]], xab[slot],
                              semg[slot]).wait()

    def wait_idx(slot):
        pltpu.make_async_copy(idx_hbm.at[wid].at[0], idxs[slot],
                              semi[slot]).wait()

    def wait_scatter(slot):
        pltpu.make_async_copy(cte[slot], acc_sh.at[sidx[slot]],
                              semsc[slot]).wait()

    def do_block(bi, slot):
        other = 1 - slot
        xab_b = xab[slot]
        cte_b = cte[slot]
        sidx_b = sidx[slot]
        idxs_b = idxs[slot]

        @pl.when(bi + 1 < NB)
        def _pref():
            wait_idx(other)
            issue_gather(other)

        wait_gather(slot)

        @pl.when(bi >= 2)
        def _wsc():
            wait_scatter(slot)

        offs = list(range(0, B - L + 1, L))
        if B % L:
            offs.append(B - L)
        for off in offs:
            dv = idxs_b[pl.ds(B + off, L)] - N
            sidx_b[pl.ds(off, L)] = dv
            sidx_b[pl.ds(B + off, L)] = NP + jnp.right_shift(dv, 5)

        @pl.when(bi + 2 < NB)
        def _pref_idx():
            pltpu.async_copy(idx_hbm.at[wid].at[bi + 2], idxs_b, semi[slot])

        @pl.loop(0, B)
        def _edge(j):
            es = []
            avs = []
            for h in range(H):
                acc = None
                for v in (2 * h, 2 * h + 1):
                    a = xab_b[j, pl.ds(v * L, L)]
                    b = xab_b[B + j, pl.ds(v * L, L)]
                    avs.append(a)
                    m = a + b
                    act = jnp.maximum(m, NEG * m)
                    t = act * attv[v]
                    acc = t if acc is None else acc + t
                logit = jnp.sum(acc)
                es.append(jnp.exp(lax.broadcast(logit, (L,))))
            for v in range(8):
                cte_b[j, pl.ds(v * L, L)] = avs[v] * es[v // 2]
                cte_b[B + j, pl.ds(v * L, L)] = zero16
            e4 = (es[0] * fmask[0] + es[1] * fmask[1]
                  + es[2] * fmask[2] + es[3] * fmask[3])
            jsplat = lax.broadcast(j, (L,))
            drep = plsc.load_gather(sidx_b, [jsplat])
            tpos = (drep & 31) * 4 + lane4
            plsc.store_scatter(cte_b, [lax.broadcast(B + j, (L,)), tpos],
                               e4, mask=m4)

        pltpu.async_copy(cte_b, acc_sh.at[sidx_b], semsc[slot], add=True)

    issue_gather(0)

    @pl.loop(0, NB)
    def _blk(bi):
        @pl.when(bi % 2 == 0)
        def _even():
            do_block(bi, 0)

        @pl.when(bi % 2 == 1)
        def _odd():
            do_block(bi, 1)

    wait_scatter((NB - 2) % 2)
    wait_scatter((NB - 1) % 2)

    plsc.subcore_barrier()
    pltpu.sync_copy(acc_sh.at[pl.ds(sid * nr, nr)],
                    out_hbm.at[cid].at[pl.ds(sid * nr, nr)])

    @pl.when(sid < 8)
    def _ws():
        dr = NPS // 8
        pltpu.sync_copy(acc_sh.at[pl.ds(NP + sid * dr, dr)],
                        outs_hbm.at[cid].at[pl.ds(sid * dr, dr)])


def kernel(x, edge_index, Wl, bl, Wr, br, att, attn_bias, W1, b1, W2, b2,
           gamma1, beta1, gamma2, beta2):
    attb = att.reshape(1, D)
    hid = jnp.arange(D, dtype=jnp.int32) // C
    smask = (hid[:, None] == jnp.arange(H, dtype=jnp.int32)[None, :]
             ).astype(jnp.float32)
    rmask = smask.T

    prep = pl.pallas_call(
        _prep_body,
        out_shape=(
            jax.ShapeDtypeStruct((2 * N, D), jnp.float32),
            jax.ShapeDtypeStruct((N, D), jnp.float32),
            jax.ShapeDtypeStruct((N, H), jnp.float32),
        ),
    )
    tab, num0, e0 = prep(x, Wl, bl.reshape(1, D), Wr, br.reshape(1, D),
                         attb, smask, rmask)

    srcr = edge_index[0].reshape(NW, NB, B)
    dstr = (edge_index[1] + N).reshape(NW, NB, B)
    idx = jnp.concatenate([srcr, dstr], axis=2)
    zeros = jnp.zeros((NP // NS, D), jnp.float32)

    parts, parts_s = _sc_edge(tab, idx, att.reshape(D), zeros)
    s0 = parts_s[0].reshape(NP, H)
    s1 = parts_s[1].reshape(NP, H)

    fin = pl.pallas_call(
        _fin_body,
        out_shape=jax.ShapeDtypeStruct((N, D), jnp.float32),
    )
    return fin(parts[0], parts[1], s0, s1, num0, e0, x,
               attn_bias.reshape(1, D),
               rmask, W1, b1.reshape(1, D), W2, b2.reshape(1, D),
               gamma1.reshape(1, D), beta1.reshape(1, D),
               gamma2.reshape(1, D), beta2.reshape(1, D))

# --- scband reference (transcript-rebuilt; emitter-appended) ---
"""Pipeline reference for scband-transformer-block-11793980195205 (READ-ONLY COPY).

The authoritative reference and input builder live on the scoring server;
editing this copy changes nothing except your own understanding.
"""

import jax, jax.numpy as jnp
import numpy as np

N = 10000
E = 320000
D = 128
H = 4
C = 32
NEG_SLOPE = 0.2
EPS = 1e-5


def segment_softmax(logits, seg, num_segments):
    m = jax.ops.segment_max(logits, seg, num_segments=num_segments)
    m = jnp.where(jnp.isfinite(m), m, 0.0)
    e = jnp.exp(logits - m[seg])
    s = jax.ops.segment_sum(e, seg, num_segments=num_segments)
    return e / (s[seg] + 1e-16)


def gatv2_conv(x, edge_index, Wl, bl, Wr, br, att, attn_bias):
    n = x.shape[0]
    src = edge_index[0]
    dst = edge_index[1]
    loops = jnp.arange(n, dtype=edge_index.dtype)
    src = jnp.concatenate([src, loops])
    dst = jnp.concatenate([dst, loops])
    xl = (x @ Wl + bl).reshape(n, H, C)
    xr = (x @ Wr + br).reshape(n, H, C)
    m = xl[src] + xr[dst]
    m_act = jnp.where(m > 0, m, NEG_SLOPE * m)
    logits = (m_act * att[None, :, :]).sum(-1)
    alpha = segment_softmax(logits, dst, n)
    out = jax.ops.segment_sum(xl[src] * alpha[:, :, None], dst, num_segments=n)
    return out.reshape(n, H * C) + attn_bias


def batchnorm(x, gamma, beta):
    mu = x.mean(axis=0)
    var = x.var(axis=0)
    return gamma * (x - mu) / jnp.sqrt(var + EPS) + beta


def forward(x, edge_index, Wl, bl, Wr, br, att, attn_bias, W1, b1, W2, b2, gamma1, beta1, gamma2, beta2):
    x_attn = gatv2_conv(x, edge_index, Wl, bl, Wr, br, att, attn_bias)
    h = batchnorm(x_attn + x, gamma1, beta1)
    f = jnp.maximum(h @ W1 + b1, 0.0) @ W2 + b2
    return batchnorm(f + h, gamma2, beta2)


def setup_inputs(seed: int = 0):
    key = jax.random.key(seed)
    ks = jax.random.split(key, 8)
    s = 1.0 / np.sqrt(D)
    inp = {}
    inp['x'] = jax.random.normal(ks[0], (N, D), dtype=jnp.float32)
    inp['edge_index'] = jax.random.randint(ks[1], (2, E), 0, N, dtype=jnp.int32)
    inp['Wl'] = jax.random.normal(ks[2], (D, H * C), dtype=jnp.float32) * s
    inp['bl'] = jnp.zeros((H * C,), dtype=jnp.float32)
    inp['Wr'] = jax.random.normal(ks[3], (D, H * C), dtype=jnp.float32) * s
    inp['br'] = jnp.zeros((H * C,), dtype=jnp.float32)
    inp['att'] = jax.random.normal(ks[4], (H, C), dtype=jnp.float32) * (1.0 / np.sqrt(C))
    inp['attn_bias'] = jnp.zeros((H * C,), dtype=jnp.float32)
    inp['W1'] = jax.random.normal(ks[5], (D, D), dtype=jnp.float32) * s
    inp['b1'] = jnp.zeros((D,), dtype=jnp.float32)
    inp['W2'] = jax.random.normal(ks[6], (D, D), dtype=jnp.float32) * s
    inp['b2'] = jnp.zeros((D,), dtype=jnp.float32)
    inp['gamma1'] = jnp.ones((D,), dtype=jnp.float32)
    inp['beta1'] = jnp.zeros((D,), dtype=jnp.float32)
    inp['gamma2'] = jnp.ones((D,), dtype=jnp.float32)
    inp['beta2'] = jnp.zeros((D,), dtype=jnp.float32)
    return inp


def reference(x, edge_index, Wl, bl, Wr, br, att, attn_bias, W1, b1, W2, b2, gamma1, beta1, gamma2, beta2):
    return forward(x, edge_index, Wl, bl, Wr, br, att, attn_bias, W1, b1, W2, b2, gamma1, beta1, gamma2, beta2)

if __name__ == "__main__":
    import jax
    _d = setup_inputs()
    print(jax.jit(kernel)(*tuple(_d.values())))

</pallas_src>

<mosaic_0001>
#map = affine_map<(d0, d1) -> (0, 0)>
#map1 = affine_map<(d0, d1) -> (0, 0, 0)>
#map2 = affine_map<(d0, d1) -> (0)>
module attributes {stable_mosaic.version = 14 : i64} {
  func.func @_sc_edge(%arg0: i32, %arg1: i32, %arg2: memref<20000x128xf32, #tpu.memory_space<hbm>>, %arg3: memref<32x250x80xi32, #tpu.memory_space<hbm>>, %arg4: memref<128xf32, #tpu.memory_space<hbm>>, %arg5: memref<640x128xf32, #tpu.memory_space<hbm>>, %arg6: memref<2x10240x128xf32, #tpu.memory_space<hbm>>, %arg7: memref<2x320x128xf32, #tpu.memory_space<hbm>>, %arg8: memref<80xi32, #tpu.memory_space<vmem>>, %arg9: memref<80xi32, #tpu.memory_space<vmem>>, %arg10: memref<80x128xf32, #tpu.memory_space<vmem>>, %arg11: memref<80x128xf32, #tpu.memory_space<vmem>>, %arg12: memref<80x128xf32, #tpu.memory_space<vmem>>, %arg13: memref<80x128xf32, #tpu.memory_space<vmem>>, %arg14: memref<80xi32, #tpu.memory_space<vmem>>, %arg15: memref<80xi32, #tpu.memory_space<vmem>>, %arg16: memref<128xf32, #tpu.memory_space<vmem>>, %arg17: memref<!tpu.dma_semaphore, #tpu.memory_space<semaphore_mem>>, %arg18: memref<!tpu.dma_semaphore, #tpu.memory_space<semaphore_mem>>, %arg19: memref<!tpu.dma_semaphore, #tpu.memory_space<semaphore_mem>>, %arg20: memref<!tpu.dma_semaphore, #tpu.memory_space<semaphore_mem>>, %arg21: memref<!tpu.dma_semaphore, #tpu.memory_space<semaphore_mem>>, %arg22: memref<!tpu.dma_semaphore, #tpu.memory_space<semaphore_mem>>, %arg23: memref<10560x128xf32, #tpu.memory_space<vmem_shared>>) attributes {dimension_semantics = [#tpu.dimension_semantics<core_parallel>, #tpu.dimension_semantics<subcore_parallel>], iteration_bounds = array<i64: 2, 16>, scalar_prefetch = 0 : i64, scratch_operands = 16 : i64, tpu.core_type = #tpu.core_type<sc_vector_subcore>, window_params = [{transform_indices = #map}, {transform_indices = #map1}, {transform_indices = #map2}, {transform_indices = #map}, {transform_indices = #map1}, {transform_indices = #map1}]} {
    %mul3A = arith.constant 2 : i32
    %mul3A_0 = arith.muli %arg1, %mul3A : i32
    %add3A = arith.addi %mul3A_0, %arg0 : i32
    %mul3A_1 = arith.constant 640 : i32
    %mul3A_2 = arith.muli %arg1, %mul3A_1 : i32
    "tpu.region"() ({
      %run_scoped3A_81 = tpu.sem_alloc : memref<!tpu.dma_semaphore, #tpu.memory_space<semaphore_mem>>
      %dma_start3A_82 = arith.constant 0 : i32
      %dma_start3A_83 = tpu.memref_slice %arg23[%mul3A_2, %dma_start3A_82] : memref<10560x128xf32, #tpu.memory_space<vmem_shared>> -> memref<640x128xf32, #tpu.memory_space<vmem_shared>>
      tpu.enqueue_dma source(%arg5 : memref<640x128xf32, #tpu.memory_space<hbm>>) target(%dma_start3A_83 : memref<640x128xf32, #tpu.memory_space<vmem_shared>>) target_semaphore(%run_scoped3A_81 : memref<!tpu.dma_semaphore, #tpu.memory_space<semaphore_mem>>)
      %dma_wait3A_84 = arith.constant 0 : i32
      %dma_wait3A_85 = tpu.memref_slice %arg23[%mul3A_2, %dma_wait3A_84] : memref<10560x128xf32, #tpu.memory_space<vmem_shared>> -> memref<640x128xf32, #tpu.memory_space<vmem_shared>>
      tpu.wait_dma2 semaphore(%run_scoped3A_81 : memref<!tpu.dma_semaphore, #tpu.memory_space<semaphore_mem>>) src(%arg5 : memref<640x128xf32, #tpu.memory_space<hbm>>) dst(%dma_wait3A_85 : memref<640x128xf32, #tpu.memory_space<vmem_shared>>)
      tpu.yield
    }) : () -> ()
    %lt3A = arith.constant 8 : i32
    %lt3A_3 = arith.cmpi slt, %arg1, %lt3A : i32
    %convert_element_type3A = arith.extui %lt3A_3 : i1 to i32
    %cond3A = arith.constant 0 : i32
    %cond3A_4 = arith.cmpi ne, %convert_element_type3A, %cond3A : i32
    scf.if %cond3A_4 {
      %mul3A_81 = arith.constant 40 : i32
      %mul3A_82 = arith.muli %arg1, %mul3A_81 : i32
      %add3A_83 = arith.constant 10240 : i32
      %add3A_84 = arith.addi %add3A_83, %mul3A_82 : i32
      "tpu.region"() ({
        %run_scoped3A_85 = tpu.sem_alloc : memref<!tpu.dma_semaphore, #tpu.memory_space<semaphore_mem>>
        %dma_start3A_86 = arith.constant 0 : i32
        %dma_start3A_87 = tpu.memref_slice %arg23[%add3A_84, %dma_start3A_86] : memref<10560x128xf32, #tpu.memory_space<vmem_shared>> -> memref<40x128xf32, #tpu.memory_space<vmem_shared>>
        %dma_start3A_88 = arith.constant 0 : i32
        %dma_start3A_89 = arith.constant 0 : i32
        %dma_start3A_90 = tpu.memref_slice %arg5[%dma_start3A_88, %dma_start3A_89] : memref<640x128xf32, #tpu.memory_space<hbm>> -> memref<40x128xf32, #tpu.memory_space<hbm>>
        tpu.enqueue_dma source(%dma_start3A_90 : memref<40x128xf32, #tpu.memory_space<hbm>>) target(%dma_start3A_87 : memref<40x128xf32, #tpu.memory_space<vmem_shared>>) target_semaphore(%run_scoped3A_85 : memref<!tpu.dma_semaphore, #tpu.memory_space<semaphore_mem>>)
        %dma_wait3A_91 = arith.constant 0 : i32
        %dma_wait3A_92 = tpu.memref_slice %arg23[%add3A_84, %dma_wait3A_91] : memref<10560x128xf32, #tpu.memory_space<vmem_shared>> -> memref<40x128xf32, #tpu.memory_space<vmem_shared>>
        %dma_wait3A_93 = arith.constant 0 : i32
        %dma_wait3A_94 = arith.constant 0 : i32
        %dma_wait3A_95 = tpu.memref_slice %arg5[%dma_wait3A_93, %dma_wait3A_94] : memref<640x128xf32, #tpu.memory_space<hbm>> -> memref<40x128xf32, #tpu.memory_space<hbm>>
        tpu.wait_dma2 semaphore(%run_scoped3A_85 : memref<!tpu.dma_semaphore, #tpu.memory_space<semaphore_mem>>) src(%dma_wait3A_95 : memref<40x128xf32, #tpu.memory_space<hbm>>) dst(%dma_wait3A_92 : memref<40x128xf32, #tpu.memory_space<vmem_shared>>)
        tpu.yield
      }) : () -> ()
    } else {
    }
    "tpu.region"() ({
      %run_scoped3A_81 = tpu.sem_alloc : memref<!tpu.dma_semaphore, #tpu.memory_space<semaphore_mem>>
      tpu.enqueue_dma source(%arg4 : memref<128xf32, #tpu.memory_space<hbm>>) target(%arg16 : memref<128xf32, #tpu.memory_space<vmem>>) target_semaphore(%run_scoped3A_81 : memref<!tpu.dma_semaphore, #tpu.memory_space<semaphore_mem>>)
      tpu.wait_dma2 semaphore(%run_scoped3A_81 : memref<!tpu.dma_semaphore, #tpu.memory_space<semaphore_mem>>) src(%arg4 : memref<128xf32, #tpu.memory_space<hbm>>) dst(%arg16 : memref<128xf32, #tpu.memory_space<vmem>>)
      tpu.yield
    }) : () -> ()
    %run_scoped3A = arith.constant 0 : i32
    "tpu.region"() ({
      %run_scoped3A_81 = tpu.sem_alloc : memref<!tpu.dma_semaphore, #tpu.memory_space<semaphore_mem>>
      %dma_start3A_82 = arith.constant 0 : i32
      %dma_start3A_83 = arith.constant 0 : i32
      %dma_start3A_84 = tpu.memref_slice %arg3[%add3A, %dma_start3A_82, %dma_start3A_83] : memref<32x250x80xi32, #tpu.memory_space<hbm>> -> memref<1x250x80xi32, #tpu.memory_space<hbm>>
      %dma_start3A_85 = tpu.memref_squeeze %dma_start3A_84 : memref<1x250x80xi32, #tpu.memory_space<hbm>> -> memref<250x80xi32, #tpu.memory_space<hbm>>
      %dma_start3A_86 = arith.constant 0 : i32
      %dma_start3A_87 = tpu.memref_slice %dma_start3A_85[%run_scoped3A, %dma_start3A_86] : memref<250x80xi32, #tpu.memory_space<hbm>> -> memref<1x80xi32, #tpu.memory_space<hbm>>
      %dma_start3A_88 = tpu.memref_squeeze %dma_start3A_87 : memref<1x80xi32, #tpu.memory_space<hbm>> -> memref<80xi32, #tpu.memory_space<hbm>>
      %dma_start3A_89 = arith.constant 0 : i32
      %dma_start3A_90 = arith.constant 0 : i32
      %dma_start3A_91 = tpu.memref_slice %arg3[%add3A, %dma_start3A_89, %dma_start3A_90] : memref<32x250x80xi32, #tpu.memory_space<hbm>> -> memref<1x250x80xi32, #tpu.memory_space<hbm>>
      %dma_start3A_92 = tpu.memref_squeeze %dma_start3A_91 : memref<1x250x80xi32, #tpu.memory_space<hbm>> -> memref<250x80xi32, #tpu.memory_space<hbm>>
      %dma_start3A_93 = arith.constant 0 : i32
      %dma_start3A_94 = tpu.memref_slice %dma_start3A_92[%run_scoped3A, %dma_start3A_93] : memref<250x80xi32, #tpu.memory_space<hbm>> -> memref<1x80xi32, #tpu.memory_space<hbm>>
      %dma_start3A_95 = tpu.memref_squeeze %dma_start3A_94 : memref<1x80xi32, #tpu.memory_space<hbm>> -> memref<80xi32, #tpu.memory_space<hbm>>
      tpu.enqueue_dma source(%dma_start3A_95 : memref<80xi32, #tpu.memory_space<hbm>>) target(%arg8 : memref<80xi32, #tpu.memory_space<vmem>>) target_semaphore(%run_scoped3A_81 : memref<!tpu.dma_semaphore, #tpu.memory_space<semaphore_mem>>)
      %dma_wait3A_96 = arith.constant 0 : i32
      %dma_wait3A_97 = arith.constant 0 : i32
      %dma_wait3A_98 = tpu.memref_slice %arg3[%add3A, %dma_wait3A_96, %dma_wait3A_97] : memref<32x250x80xi32, #tpu.memory_space<hbm>> -> memref<1x250x80xi32, #tpu.memory_space<hbm>>
      %dma_wait3A_99 = tpu.memref_squeeze %dma_wait3A_98 : memref<1x250x80xi32, #tpu.memory_space<hbm>> -> memref<250x80xi32, #tpu.memory_space<hbm>>
      %dma_wait3A_100 = arith.constant 0 : i32
      %dma_wait3A_101 = tpu.memref_slice %dma_wait3A_99[%run_scoped3A, %dma_wait3A_100] : memref<250x80xi32, #tpu.memory_space<hbm>> -> memref<1x80xi32, #tpu.memory_space<hbm>>
      %dma_wait3A_102 = tpu.memref_squeeze %dma_wait3A_101 : memref<1x80xi32, #tpu.memory_space<hbm>> -> memref<80xi32, #tpu.memory_space<hbm>>
      %dma_wait3A_103 = arith.constant 0 : i32
      %dma_wait3A_104 = arith.constant 0 : i32
      %dma_wait3A_105 = tpu.memref_slice %arg3[%add3A, %dma_wait3A_103, %dma_wait3A_104] : memref<32x250x80xi32, #tpu.memory_space<hbm>> -> memref<1x250x80xi32, #tpu.memory_space<hbm>>
      %dma_wait3A_106 = tpu.memref_squeeze %dma_wait3A_105 : memref<1x250x80xi32, #tpu.memory_space<hbm>> -> memref<250x80xi32, #tpu.memory_space<hbm>>
      %dma_wait3A_107 = arith.constant 0 : i32
      %dma_wait3A_108 = tpu.memref_slice %dma_wait3A_106[%run_scoped3A, %dma_wait3A_107] : memref<250x80xi32, #tpu.memory_space<hbm>> -> memref<1x80xi32, #tpu.memory_space<hbm>>
      %dma_wait3A_109 = tpu.memref_squeeze %dma_wait3A_108 : memref<1x80xi32, #tpu.memory_space<hbm>> -> memref<80xi32, #tpu.memory_space<hbm>>
      tpu.wait_dma2 semaphore(%run_scoped3A_81 : memref<!tpu.dma_semaphore, #tpu.memory_space<semaphore_mem>>) src(%dma_wait3A_109 : memref<80xi32, #tpu.memory_space<hbm>>) dst(%arg8 : memref<80xi32, #tpu.memory_space<vmem>>)
      tpu.yield
    }) : () -> ()
    %dma_start3A = arith.constant 1 : i32
    %dma_start3A_5 = arith.constant 0 : i32
    %dma_start3A_6 = arith.constant 0 : i32
    %dma_start3A_7 = tpu.memref_slice %arg3[%add3A, %dma_start3A_5, %dma_start3A_6] : memref<32x250x80xi32, #tpu.memory_space<hbm>> -> memref<1x250x80xi32, #tpu.memory_space<hbm>>
    %dma_start3A_8 = tpu.memref_squeeze %dma_start3A_7 : memref<1x250x80xi32, #tpu.memory_space<hbm>> -> memref<250x80xi32, #tpu.memory_space<hbm>>
    %dma_start3A_9 = arith.constant 0 : i32
    %dma_start3A_10 = tpu.memref_slice %dma_start3A_8[%dma_start3A, %dma_start3A_9] : memref<250x80xi32, #tpu.memory_space<hbm>> -> memref<1x80xi32, #tpu.memory_space<hbm>>
    %dma_start3A_11 = tpu.memref_squeeze %dma_start3A_10 : memref<1x80xi32, #tpu.memory_space<hbm>> -> memref<80xi32, #tpu.memory_space<hbm>>
    %dma_start3A_12 = arith.constant 0 : i32
    %dma_start3A_13 = arith.constant 0 : i32
    %dma_start3A_14 = tpu.memref_slice %arg3[%add3A, %dma_start3A_12, %dma_start3A_13] : memref<32x250x80xi32, #tpu.memory_space<hbm>> -> memref<1x250x80xi32, #tpu.memory_space<hbm>>
    %dma_start3A_15 = tpu.memref_squeeze %dma_start3A_14 : memref<1x250x80xi32, #tpu.memory_space<hbm>> -> memref<250x80xi32, #tpu.memory_space<hbm>>
    %dma_start3A_16 = arith.constant 0 : i32
    %dma_start3A_17 = tpu.memref_slice %dma_start3A_15[%dma_start3A, %dma_start3A_16] : memref<250x80xi32, #tpu.memory_space<hbm>> -> memref<1x80xi32, #tpu.memory_space<hbm>>
    %dma_start3A_18 = tpu.memref_squeeze %dma_start3A_17 : memref<1x80xi32, #tpu.memory_space<hbm>> -> memref<80xi32, #tpu.memory_space<hbm>>
    tpu.enqueue_dma source(%dma_start3A_18 : memref<80xi32, #tpu.memory_space<hbm>>) target(%arg9 : memref<80xi32, #tpu.memory_space<vmem>>) target_semaphore(%arg18 : memref<!tpu.dma_semaphore, #tpu.memory_space<semaphore_mem>>)
    %barrier3A = arith.constant 0 : index
    tpu.barrier barrier_id(%barrier3A)
    %iota3A = tpu.iota {dimensions = array<i32: 0>} : vector<16xi32>
    %eq3A = arith.constant 0 : i32
    %eq3A_19 = vector.broadcast %eq3A : i32 to vector<16xi32>
    %eq3A_20 = arith.cmpi eq, %iota3A, %eq3A_19 : vector<16xi32>
    %convert_element_type3A_21 = arith.extui %eq3A_20 : vector<16xi1> to vector<16xi32>
    %convert_element_type3A_22 = arith.sitofp %convert_element_type3A_21 : vector<16xi32> to vector<16xf32>
    %eq3A_23 = arith.constant 1 : i32
    %eq3A_24 = vector.broadcast %eq3A_23 : i32 to vector<16xi32>
    %eq3A_25 = arith.cmpi eq, %iota3A, %eq3A_24 : vector<16xi32>
    %convert_element_type3A_26 = arith.extui %eq3A_25 : vector<16xi1> to vector<16xi32>
    %convert_element_type3A_27 = arith.sitofp %convert_element_type3A_26 : vector<16xi32> to vector<16xf32>
    %eq3A_28 = arith.constant 2 : i32
    %eq3A_29 = vector.broadcast %eq3A_28 : i32 to vector<16xi32>
    %eq3A_30 = arith.cmpi eq, %iota3A, %eq3A_29 : vector<16xi32>
    %convert_element_type3A_31 = arith.extui %eq3A_30 : vector<16xi1> to vector<16xi32>
    %convert_element_type3A_32 = arith.sitofp %convert_element_type3A_31 : vector<16xi32> to vector<16xf32>
    %eq3A_33 = arith.constant 3 : i32
    %eq3A_34 = vector.broadcast %eq3A_33 : i32 to vector<16xi32>
    %eq3A_35 = arith.cmpi eq, %iota3A, %eq3A_34 : vector<16xi32>
    %convert_element_type3A_36 = arith.extui %eq3A_35 : vector<16xi1> to vector<16xi32>
    %convert_element_type3A_37 = arith.sitofp %convert_element_type3A_36 : vector<16xi32> to vector<16xf32>
    %and3A = arith.constant 3 : i32
    %and3A_38 = vector.broadcast %and3A : i32 to vector<16xi32>
    %and3A_39 = arith.andi %iota3A, %and3A_38 : vector<16xi32>
    %lt3A_40 = arith.constant 4 : i32
    %lt3A_41 = vector.broadcast %lt3A_40 : i32 to vector<16xi32>
    %lt3A_42 = arith.cmpi slt, %iota3A, %lt3A_41 : vector<16xi32>
    %get3A = arith.constant 0 : index
    %get3A_43 = tpu.vector_load %arg16[%get3A] {strides = array<i32>} : memref<128xf32, #tpu.memory_space<vmem>>, vector<16xf32>,
    %get3A_44 = arith.constant 16 : index
    %get3A_45 = tpu.vector_load %arg16[%get3A_44] {strides = array<i32>} : memref<128xf32, #tpu.memory_space<vmem>>, vector<16xf32>,
    %get3A_46 = arith.constant 32 : index
    %get3A_47 = tpu.vector_load %arg16[%get3A_46] {strides = array<i32>} : memref<128xf32, #tpu.memory_space<vmem>>, vector<16xf32>,
    %get3A_48 = arith.constant 48 : index
    %get3A_49 = tpu.vector_load %arg16[%get3A_48] {strides = array<i32>} : memref<128xf32, #tpu.memory_space<vmem>>, vector<16xf32>,
    %get3A_50 = arith.constant 64 : index
    %get3A_51 = tpu.vector_load %arg16[%get3A_50] {strides = array<i32>} : memref<128xf32, #tpu.memory_space<vmem>>, vector<16xf32>,
    %get3A_52 = arith.constant 80 : index
    %get3A_53 = tpu.vector_load %arg16[%get3A_52] {strides = array<i32>} : memref<128xf32, #tpu.memory_space<vmem>>, vector<16xf32>,
    %get3A_54 = arith.constant 96 : index
    %get3A_55 = tpu.vector_load %arg16[%get3A_54] {strides = array<i32>} : memref<128xf32, #tpu.memory_space<vmem>>, vector<16xf32>,
    %get3A_56 = arith.constant 112 : index
    %get3A_57 = tpu.vector_load %arg16[%get3A_56] {strides = array<i32>} : memref<128xf32, #tpu.memory_space<vmem>>, vector<16xf32>,
    %broadcast_in_dim3A = arith.constant 0.000000e+00 : f32
    %broadcast_in_dim3A_58 = vector.broadcast %broadcast_in_dim3A : f32 to vector<16xf32>
    %dma_start3A_59 = arith.constant 0 : i32
    %dma_start3A_60 = arith.constant 0 : i32
    %dma_start3A_61 = tpu.memref_slice %arg2[%dma_start3A_59, %dma_start3A_60] : memref<20000x128xf32, #tpu.memory_space<hbm>> -> memref<20000x128xf32, #tpu.memory_space<hbm>>
    tpu.enqueue_indirect_dma source(%dma_start3A_61 : memref<20000x128xf32, #tpu.memory_space<hbm>>) target(%arg10 : memref<80x128xf32, #tpu.memory_space<vmem>>) offsets(%arg8 : memref<80xi32, #tpu.memory_space<vmem>>) semaphore(%arg19 : memref<!tpu.dma_semaphore, #tpu.memory_space<semaphore_mem>>)
    %scan3A = arith.constant 0 : i32
    %scan3A_62 = arith.constant 250 : i32
    %scan3A_63 = arith.addi %scan3A, %scan3A_62 : i32
    %scan3A_64 = arith.constant 1 : i32
    scf.for %scan3A_81 = %scan3A to %scan3A_63 step %scan3A_64  : i32 {
      %mul3A_82 = arith.constant 1 : i32
      %mul3A_83 = arith.muli %scan3A_81, %mul3A_82 : i32
      %add3A_84 = arith.constant 0 : i32
      %add3A_85 = arith.addi %add3A_84, %mul3A_83 : i32
      %jit3A = arith.constant 2 : i32
      %eq3A_86 = arith.constant 0 : i32
      %eq3A_87 = arith.cmpi eq, %jit3A, %eq3A_86 : i32
      %jit3A_88 = arith.constant 1 : i32
      %select_n3A = arith.select %eq3A_87, %jit3A_88, %jit3A : i32
      %rem3A = arith.remsi %add3A_85, %select_n3A : i32
      %ne3A = arith.constant 0 : i32
      %ne3A_89 = arith.cmpi ne, %rem3A, %ne3A : i32
      %lt3A_90 = arith.constant 0 : i32
      %lt3A_91 = arith.cmpi slt, %rem3A, %lt3A_90 : i32
      %lt3A_92 = arith.constant 0 : i32
      %lt3A_93 = arith.cmpi slt, %select_n3A, %lt3A_92 : i32
      %ne3A_94 = arith.xori %lt3A_91, %lt3A_93 : i1
      %and3A_95 = arith.andi %ne3A_94, %ne3A_89 : i1
      %add3A_96 = arith.addi %rem3A, %select_n3A : i32
      %select_n3A_97 = arith.select %and3A_95, %add3A_96, %rem3A : i32
      %eq3A_98 = arith.constant 0 : i32
      %eq3A_99 = arith.cmpi eq, %select_n3A_97, %eq3A_98 : i32
      %convert_element_type3A_100 = arith.extui %eq3A_99 : i1 to i32
      %cond3A_101 = arith.constant 0 : i32
      %cond3A_102 = arith.cmpi ne, %convert_element_type3A_100, %cond3A_101 : i32
      scf.if %cond3A_102 {
        %add3A_124 = arith.constant 1 : i32
        %add3A_125 = arith.addi %add3A_85, %add3A_124 : i32
        %lt3A_126 = arith.constant 250 : i32
        %lt3A_127 = arith.cmpi slt, %add3A_125, %lt3A_126 : i32
        %convert_element_type3A_128 = arith.extui %lt3A_127 : i1 to i32
        %cond3A_129 = arith.constant 0 : i32
        %cond3A_130 = arith.cmpi ne, %convert_element_type3A_128, %cond3A_129 : i32
        scf.if %cond3A_130 {
          %dma_wait3A_195 = arith.constant 0 : i32
          %dma_wait3A_196 = arith.constant 0 : i32
          %dma_wait3A_197 = arith.constant 0 : i32
          %dma_wait3A_198 = tpu.memref_slice %arg3[%add3A, %dma_wait3A_196, %dma_wait3A_197] : memref<32x250x80xi32, #tpu.memory_space<hbm>> -> memref<1x250x80xi32, #tpu.memory_space<hbm>>
          %dma_wait3A_199 = tpu.memref_squeeze %dma_wait3A_198 : memref<1x250x80xi32, #tpu.memory_space<hbm>> -> memref<250x80xi32, #tpu.memory_space<hbm>>
          %dma_wait3A_200 = arith.constant 0 : i32
          %dma_wait3A_201 = tpu.memref_slice %dma_wait3A_199[%dma_wait3A_195, %dma_wait3A_200] : memref<250x80xi32, #tpu.memory_space<hbm>> -> memref<1x80xi32, #tpu.memory_space<hbm>>
          %dma_wait3A_202 = tpu.memref_squeeze %dma_wait3A_201 : memref<1x80xi32, #tpu.memory_space<hbm>> -> memref<80xi32, #tpu.memory_space<hbm>>
          %dma_wait3A_203 = arith.constant 0 : i32
          %dma_wait3A_204 = arith.constant 0 : i32
          %dma_wait3A_205 = tpu.memref_slice %arg3[%add3A, %dma_wait3A_203, %dma_wait3A_204] : memref<32x250x80xi32, #tpu.memory_space<hbm>> -> memref<1x250x80xi32, #tpu.memory_space<hbm>>
          %dma_wait3A_206 = tpu.memref_squeeze %dma_wait3A_205 : memref<1x250x80xi32, #tpu.memory_space<hbm>> -> memref<250x80xi32, #tpu.memory_space<hbm>>
          %dma_wait3A_207 = arith.constant 0 : i32
          %dma_wait3A_208 = tpu.memref_slice %dma_wait3A_206[%dma_wait3A_195, %dma_wait3A_207] : memref<250x80xi32, #tpu.memory_space<hbm>> -> memref<1x80xi32, #tpu.memory_space<hbm>>
          %dma_wait3A_209 = tpu.memref_squeeze %dma_wait3A_208 : memref<1x80xi32, #tpu.memory_space<hbm>> -> memref<80xi32, #tpu.memory_space<hbm>>
          tpu.wait_dma2 semaphore(%arg18 : memref<!tpu.dma_semaphore, #tpu.memory_space<semaphore_mem>>) src(%dma_wait3A_209 : memref<80xi32, #tpu.memory_space<hbm>>) dst(%arg9 : memref<80xi32, #tpu.memory_space<vmem>>)
          %dma_start3A_210 = arith.constant 0 : i32
          %dma_start3A_211 = arith.constant 0 : i32
          %dma_start3A_212 = tpu.memref_slice %arg2[%dma_start3A_210, %dma_start3A_211] : memref<20000x128xf32, #tpu.memory_space<hbm>> -> memref<20000x128xf32, #tpu.memory_space<hbm>>
          tpu.enqueue_indirect_dma source(%dma_start3A_212 : memref<20000x128xf32, #tpu.memory_space<hbm>>) target(%arg11 : memref<80x128xf32, #tpu.memory_space<vmem>>) offsets(%arg9 : memref<80xi32, #tpu.memory_space<vmem>>) semaphore(%arg20 : memref<!tpu.dma_semaphore, #tpu.memory_space<semaphore_mem>>)
        } else {
        }
        %dma_wait3A_131 = arith.constant 0 : i32
        %dma_wait3A_132 = arith.constant 0 : i32
        %dma_wait3A_133 = tpu.memref_slice %arg2[%dma_wait3A_131, %dma_wait3A_132] : memref<20000x128xf32, #tpu.memory_space<hbm>> -> memref<20000x128xf32, #tpu.memory_space<hbm>>
        tpu.wait_indirect_dma semaphore(%arg19 : memref<!tpu.dma_semaphore, #tpu.memory_space<semaphore_mem>>) src(%dma_wait3A_133 : memref<20000x128xf32, #tpu.memory_space<hbm>>) dst(%arg10 : memref<80x128xf32, #tpu.memory_space<vmem>>)
        %ge3A = arith.constant 2 : i32
        %ge3A_134 = arith.cmpi sge, %add3A_85, %ge3A : i32
        %convert_element_type3A_135 = arith.extui %ge3A_134 : i1 to i32
        %cond3A_136 = arith.constant 0 : i32
        %cond3A_137 = arith.cmpi ne, %convert_element_type3A_135, %cond3A_136 : i32
        scf.if %cond3A_137 {
          %dma_wait3A_195 = arith.constant 0 : i32
          %dma_wait3A_196 = arith.constant 0 : i32
          %dma_wait3A_197 = tpu.memref_slice %arg23[%dma_wait3A_195, %dma_wait3A_196] : memref<10560x128xf32, #tpu.memory_space<vmem_shared>> -> memref<10560x128xf32, #tpu.memory_space<vmem_shared>>
          tpu.wait_indirect_dma semaphore(%arg21 : memref<!tpu.dma_semaphore, #tpu.memory_space<semaphore_mem>>) src(%arg12 : memref<80x128xf32, #tpu.memory_space<vmem>>) dst(%dma_wait3A_197 : memref<10560x128xf32, #tpu.memory_space<vmem_shared>>)
        } else {
        }
        %get3A_138 = arith.constant 40 : index
        %get3A_139 = tpu.vector_load %arg8[%get3A_138] {strides = array<i32>} : memref<80xi32, #tpu.memory_space<vmem>>, vector<16xi32>,
        %sub3A = arith.constant 10000 : i32
        %sub3A_140 = vector.broadcast %sub3A : i32 to vector<16xi32>
        %sub3A_141 = arith.subi %get3A_139, %sub3A_140 : vector<16xi32>
        %swap3A = arith.constant 0 : index
        %swap3A_142 = tpu.vector_load %arg14[%swap3A] {strides = array<i32>} : memref<80xi32, #tpu.memory_space<vmem>>, vector<16xi32>,
        tpu.vector_store %arg14[%swap3A], %sub3A_141 {strides = array<i32>} : memref<80xi32, #tpu.memory_space<vmem>>, vector<16xi32>,
        %shift_right_arithmetic3A = arith.constant 5 : i32
        %shift_right_arithmetic3A_143 = vector.broadcast %shift_right_arithmetic3A : i32 to vector<16xi32>
        %shift_right_arithmetic3A_144 = arith.shrsi %sub3A_141, %shift_right_arithmetic3A_143 : vector<16xi32>
        %add3A_145 = arith.constant 10240 : i32
        %add3A_146 = vector.broadcast %add3A_145 : i32 to vector<16xi32>
        %add3A_147 = arith.addi %add3A_146, %shift_right_arithmetic3A_144 : vector<16xi32>
        %swap3A_148 = arith.constant 40 : index
        %swap3A_149 = tpu.vector_load %arg14[%swap3A_148] {strides = array<i32>} : memref<80xi32, #tpu.memory_space<vmem>>, vector<16xi32>,
        tpu.vector_store %arg14[%swap3A_148], %add3A_147 {strides = array<i32>} : memref<80xi32, #tpu.memory_space<vmem>>, vector<16xi32>,
        %get3A_150 = arith.constant 56 : index
        %get3A_151 = tpu.vector_load %arg8[%get3A_150] {strides = array<i32>} : memref<80xi32, #tpu.memory_space<vmem>>, vector<16xi32>,
        %sub3A_152 = arith.constant 10000 : i32
        %sub3A_153 = vector.broadcast %sub3A_152 : i32 to vector<16xi32>
        %sub3A_154 = arith.subi %get3A_151, %sub3A_153 : vector<16xi32>
        %swap3A_155 = arith.constant 16 : index
        %swap3A_156 = tpu.vector_load %arg14[%swap3A_155] {strides = array<i32>} : memref<80xi32, #tpu.memory_space<vmem>>, vector<16xi32>,
        tpu.vector_store %arg14[%swap3A_155], %sub3A_154 {strides = array<i32>} : memref<80xi32, #tpu.memory_space<vmem>>, vector<16xi32>,
        %shift_right_arithmetic3A_157 = arith.constant 5 : i32
        %shift_right_arithmetic3A_158 = vector.broadcast %shift_right_arithmetic3A_157 : i32 to vector<16xi32>
        %shift_right_arithmetic3A_159 = arith.shrsi %sub3A_154, %shift_right_arithmetic3A_158 : vector<16xi32>
        %add3A_160 = arith.constant 10240 : i32
        %add3A_161 = vector.broadcast %add3A_160 : i32 to vector<16xi32>
        %add3A_162 = arith.addi %add3A_161, %shift_right_arithmetic3A_159 : vector<16xi32>
        %swap3A_163 = arith.constant 56 : index
        %swap3A_164 = tpu.vector_load %arg14[%swap3A_163] {strides = array<i32>} : memref<80xi32, #tpu.memory_space<vmem>>, vector<16xi32>,
        tpu.vector_store %arg14[%swap3A_163], %add3A_162 {strides = array<i32>} : memref<80xi32, #tpu.memory_space<vmem>>, vector<16xi32>,
        %get3A_165 = arith.constant 64 : index
        %get3A_166 = tpu.vector_load %arg8[%get3A_165] {strides = array<i32>} : memref<80xi32, #tpu.memory_space<vmem>>, vector<16xi32>,
        %sub3A_167 = arith.constant 10000 : i32
        %sub3A_168 = vector.broadcast %sub3A_167 : i32 to vector<16xi32>
        %sub3A_169 = arith.subi %get3A_166, %sub3A_168 : vector<16xi32>
        %swap3A_170 = arith.constant 24 : index
        %swap3A_171 = tpu.vector_load %arg14[%swap3A_170] {strides = array<i32>} : memref<80xi32, #tpu.memory_space<vmem>>, vector<16xi32>,
        tpu.vector_store %arg14[%swap3A_170], %sub3A_169 {strides = array<i32>} : memref<80xi32, #tpu.memory_space<vmem>>, vector<16xi32>,
        %shift_right_arithmetic3A_172 = arith.constant 5 : i32
        %shift_right_arithmetic3A_173 = vector.broadcast %shift_right_arithmetic3A_172 : i32 to vector<16xi32>
        %shift_right_arithmetic3A_174 = arith.shrsi %sub3A_169, %shift_right_arithmetic3A_173 : vector<16xi32>
        %add3A_175 = arith.constant 10240 : i32
        %add3A_176 = vector.broadcast %add3A_175 : i32 to vector<16xi32>
        %add3A_177 = arith.addi %add3A_176, %shift_right_arithmetic3A_174 : vector<16xi32>
        %swap3A_178 = arith.constant 64 : index
        %swap3A_179 = tpu.vector_load %arg14[%swap3A_178] {strides = array<i32>} : memref<80xi32, #tpu.memory_space<vmem>>, vector<16xi32>,
        tpu.vector_store %arg14[%swap3A_178], %add3A_177 {strides = array<i32>} : memref<80xi32, #tpu.memory_space<vmem>>, vector<16xi32>,
        %add3A_180 = arith.constant 2 : i32
        %add3A_181 = arith.addi %add3A_85, %add3A_180 : i32
        %lt3A_182 = arith.constant 250 : i32
        %lt3A_183 = arith.cmpi slt, %add3A_181, %lt3A_182 : i32
        %convert_element_type3A_184 = arith.extui %lt3A_183 : i1 to i32
        %cond3A_185 = arith.constant 0 : i32
        %cond3A_186 = arith.cmpi ne, %convert_element_type3A_184, %cond3A_185 : i32
        scf.if %cond3A_186 {
          %add3A_195 = arith.constant 2 : i32
          %add3A_196 = arith.addi %add3A_85, %add3A_195 : i32
          %dma_start3A_197 = arith.constant 0 : i32
          %dma_start3A_198 = arith.constant 0 : i32
          %dma_start3A_199 = tpu.memref_slice %arg3[%add3A, %dma_start3A_197, %dma_start3A_198] : memref<32x250x80xi32, #tpu.memory_space<hbm>> -> memref<1x250x80xi32, #tpu.memory_space<hbm>>
          %dma_start3A_200 = tpu.memref_squeeze %dma_start3A_199 : memref<1x250x80xi32, #tpu.memory_space<hbm>> -> memref<250x80xi32, #tpu.memory_space<hbm>>
          %dma_start3A_201 = arith.constant 0 : i32
          %dma_start3A_202 = tpu.memref_slice %dma_start3A_200[%add3A_196, %dma_start3A_201] : memref<250x80xi32, #tpu.memory_space<hbm>> -> memref<1x80xi32, #tpu.memory_space<hbm>>
          %dma_start3A_203 = tpu.memref_squeeze %dma_start3A_202 : memref<1x80xi32, #tpu.memory_space<hbm>> -> memref<80xi32, #tpu.memory_space<hbm>>
          %dma_start3A_204 = arith.constant 0 : i32
          %dma_start3A_205 = arith.constant 0 : i32
          %dma_start3A_206 = tpu.memref_slice %arg3[%add3A, %dma_start3A_204, %dma_start3A_205] : memref<32x250x80xi32, #tpu.memory_space<hbm>> -> memref<1x250x80xi32, #tpu.memory_space<hbm>>
          %dma_start3A_207 = tpu.memref_squeeze %dma_start3A_206 : memref<1x250x80xi32, #tpu.memory_space<hbm>> -> memref<250x80xi32, #tpu.memory_space<hbm>>
          %dma_start3A_208 = arith.constant 0 : i32
          %dma_start3A_209 = tpu.memref_slice %dma_start3A_207[%add3A_196, %dma_start3A_208] : memref<250x80xi32, #tpu.memory_space<hbm>> -> memref<1x80xi32, #tpu.memory_space<hbm>>
          %dma_start3A_210 = tpu.memref_squeeze %dma_start3A_209 : memref<1x80xi32, #tpu.memory_space<hbm>> -> memref<80xi32, #tpu.memory_space<hbm>>
          tpu.enqueue_dma source(%dma_start3A_210 : memref<80xi32, #tpu.memory_space<hbm>>) target(%arg8 : memref<80xi32, #tpu.memory_space<vmem>>) target_semaphore(%arg17 : memref<!tpu.dma_semaphore, #tpu.memory_space<semaphore_mem>>)
        } else {
        }
        %scan3A_187 = arith.constant 0 : i32
        %scan3A_188 = arith.constant 40 : i32
        %scan3A_189 = arith.addi %scan3A_187, %scan3A_188 : i32
        %scan3A_190 = arith.constant 1 : i32
        scf.for %scan3A_195 = %scan3A_187 to %scan3A_189 step %scan3A_190  : i32 {
          %mul3A_196 = arith.constant 1 : i32
          %mul3A_197 = arith.muli %scan3A_195, %mul3A_196 : i32
          %add3A_198 = arith.constant 0 : i32
          %add3A_199 = arith.addi %add3A_198, %mul3A_197 : i32
          %get3A_200 = arith.index_cast %add3A_199 : i32 to index
          %get3A_201 = arith.constant 0 : index
          %get3A_202 = tpu.vector_load %arg10[%get3A_200, %get3A_201] {strides = array<i32>} : memref<80x128xf32, #tpu.memory_space<vmem>>, vector<16xf32>,
          %add3A_203 = arith.constant 40 : i32
          %add3A_204 = arith.addi %add3A_203, %add3A_199 : i32
          %get3A_205 = arith.index_cast %add3A_204 : i32 to index
          %get3A_206 = arith.constant 0 : index
          %get3A_207 = tpu.vector_load %arg10[%get3A_205, %get3A_206] {strides = array<i32>} : memref<80x128xf32, #tpu.memory_space<vmem>>, vector<16xf32>,
          %add3A_208 = arith.addf %get3A_202, %get3A_207 : vector<16xf32>
          %mul3A_209 = arith.constant 2.000000e-01 : f32
          %mul3A_210 = vector.broadcast %mul3A_209 : f32 to vector<16xf32>
          %mul3A_211 = arith.mulf %mul3A_210, %add3A_208 : vector<16xf32>
          %max3A = arith.maximumf %add3A_208, %mul3A_211 : vector<16xf32>
          %mul3A_212 = arith.mulf %max3A, %get3A_43 : vector<16xf32>
          %get3A_213 = arith.index_cast %add3A_199 : i32 to index
          %get3A_214 = arith.constant 16 : index
          %get3A_215 = tpu.vector_load %arg10[%get3A_213, %get3A_214] {strides = array<i32>} : memref<80x128xf32, #tpu.memory_space<vmem>>, vector<16xf32>,
          %add3A_216 = arith.constant 40 : i32
          %add3A_217 = arith.addi %add3A_216, %add3A_199 : i32
          %get3A_218 = arith.index_cast %add3A_217 : i32 to index
          %get3A_219 = arith.constant 16 : index
          %get3A_220 = tpu.vector_load %arg10[%get3A_218, %get3A_219] {strides = array<i32>} : memref<80x128xf32, #tpu.memory_space<vmem>>, vector<16xf32>,
          %add3A_221 = arith.addf %get3A_215, %get3A_220 : vector<16xf32>
          %mul3A_222 = arith.constant 2.000000e-01 : f32
          %mul3A_223 = vector.broadcast %mul3A_222 : f32 to vector<16xf32>
          %mul3A_224 = arith.mulf %mul3A_223, %add3A_221 : vector<16xf32>
          %max3A_225 = arith.maximumf %add3A_221, %mul3A_224 : vector<16xf32>
          %mul3A_226 = arith.mulf %max3A_225, %get3A_45 : vector<16xf32>
          %add3A_227 = arith.addf %mul3A_212, %mul3A_226 : vector<16xf32>
          %reduce_sum3A = arith.constant true
          %reduce_sum3A_228 = vector.broadcast %reduce_sum3A : i1 to vector<16xi1>
          %reduce_sum3A_229 = tpu.scan <sum>, %add3A_227 masked %reduce_sum3A_228 : vector<16xf32>, vector<16xi1> -> vector<16xf32>
          %reduce_sum3A_230 = vector.extract %reduce_sum3A_229[15] : f32 from vector<16xf32>
          %broadcast_in_dim3A_231 = vector.broadcast %reduce_sum3A_230 : f32 to vector<16xf32>
          %exp3A = math.exp %broadcast_in_dim3A_231 : vector<16xf32>
          %get3A_232 = arith.index_cast %add3A_199 : i32 to index
          %get3A_233 = arith.constant 32 : index
          %get3A_234 = tpu.vector_load %arg10[%get3A_232, %get3A_233] {strides = array<i32>} : memref<80x128xf32, #tpu.memory_space<vmem>>, vector<16xf32>,
          %add3A_235 = arith.constant 40 : i32
          %add3A_236 = arith.addi %add3A_235, %add3A_199 : i32
          %get3A_237 = arith.index_cast %add3A_236 : i32 to index
          %get3A_238 = arith.constant 32 : index
          %get3A_239 = tpu.vector_load %arg10[%get3A_237, %get3A_238] {strides = array<i32>} : memref<80x128xf32, #tpu.memory_space<vmem>>, vector<16xf32>,
          %add3A_240 = arith.addf %get3A_234, %get3A_239 : vector<16xf32>
          %mul3A_241 = arith.constant 2.000000e-01 : f32
          %mul3A_242 = vector.broadcast %mul3A_241 : f32 to vector<16xf32>
          %mul3A_243 = arith.mulf %mul3A_242, %add3A_240 : vector<16xf32>
          %max3A_244 = arith.maximumf %add3A_240, %mul3A_243 : vector<16xf32>
          %mul3A_245 = arith.mulf %max3A_244, %get3A_47 : vector<16xf32>
          %get3A_246 = arith.index_cast %add3A_199 : i32 to index
          %get3A_247 = arith.constant 48 : index
          %get3A_248 = tpu.vector_load %arg10[%get3A_246, %get3A_247] {strides = array<i32>} : memref<80x128xf32, #tpu.memory_space<vmem>>, vector<16xf32>,
          %add3A_249 = arith.constant 40 : i32
          %add3A_250 = arith.addi %add3A_249, %add3A_199 : i32
          %get3A_251 = arith.index_cast %add3A_250 : i32 to index
          %get3A_252 = arith.constant 48 : index
          %get3A_253 = tpu.vector_load %arg10[%get3A_251, %get3A_252] {strides = array<i32>} : memref<80x128xf32, #tpu.memory_space<vmem>>, vector<16xf32>,
          %add3A_254 = arith.addf %get3A_248, %get3A_253 : vector<16xf32>
          %mul3A_255 = arith.constant 2.000000e-01 : f32
          %mul3A_256 = vector.broadcast %mul3A_255 : f32 to vector<16xf32>
          %mul3A_257 = arith.mulf %mul3A_256, %add3A_254 : vector<16xf32>
          %max3A_258 = arith.maximumf %add3A_254, %mul3A_257 : vector<16xf32>
          %mul3A_259 = arith.mulf %max3A_258, %get3A_49 : vector<16xf32>
          %add3A_260 = arith.addf %mul3A_245, %mul3A_259 : vector<16xf32>
          %reduce_sum3A_261 = arith.constant true
          %reduce_sum3A_262 = vector.broadcast %reduce_sum3A_261 : i1 to vector<16xi1>
          %reduce_sum3A_263 = tpu.scan <sum>, %add3A_260 masked %reduce_sum3A_262 : vector<16xf32>, vector<16xi1> -> vector<16xf32>
          %reduce_sum3A_264 = vector.extract %reduce_sum3A_263[15] : f32 from vector<16xf32>
          %broadcast_in_dim3A_265 = vector.broadcast %reduce_sum3A_264 : f32 to vector<16xf32>
          %exp3A_266 = math.exp %broadcast_in_dim3A_265 : vector<16xf32>
          %get3A_267 = arith.index_cast %add3A_199 : i32 to index
          %get3A_268 = arith.constant 64 : index
          %get3A_269 = tpu.vector_load %arg10[%get3A_267, %get3A_268] {strides = array<i32>} : memref<80x128xf32, #tpu.memory_space<vmem>>, vector<16xf32>,
          %add3A_270 = arith.constant 40 : i32
          %add3A_271 = arith.addi %add3A_270, %add3A_199 : i32
          %get3A_272 = arith.index_cast %add3A_271 : i32 to index
          %get3A_273 = arith.constant 64 : index
          %get3A_274 = tpu.vector_load %arg10[%get3A_272, %get3A_273] {strides = array<i32>} : memref<80x128xf32, #tpu.memory_space<vmem>>, vector<16xf32>,
          %add3A_275 = arith.addf %get3A_269, %get3A_274 : vector<16xf32>
          %mul3A_276 = arith.constant 2.000000e-01 : f32
          %mul3A_277 = vector.broadcast %mul3A_276 : f32 to vector<16xf32>
          %mul3A_278 = arith.mulf %mul3A_277, %add3A_275 : vector<16xf32>
          %max3A_279 = arith.maximumf %add3A_275, %mul3A_278 : vector<16xf32>
          %mul3A_280 = arith.mulf %max3A_279, %get3A_51 : vector<16xf32>
          %get3A_281 = arith.index_cast %add3A_199 : i32 to index
          %get3A_282 = arith.constant 80 : index
          %get3A_283 = tpu.vector_load %arg10[%get3A_281, %get3A_282] {strides = array<i32>} : memref<80x128xf32, #tpu.memory_space<vmem>>, vector<16xf32>,
          %add3A_284 = arith.constant 40 : i32
          %add3A_285 = arith.addi %add3A_284, %add3A_199 : i32
          %get3A_286 = arith.index_cast %add3A_285 : i32 to index
          %get3A_287 = arith.constant 80 : index
          %get3A_288 = tpu.vector_load %arg10[%get3A_286, %get3A_287] {strides = array<i32>} : memref<80x128xf32, #tpu.memory_space<vmem>>, vector<16xf32>,
          %add3A_289 = arith.addf %get3A_283, %get3A_288 : vector<16xf32>
          %mul3A_290 = arith.constant 2.000000e-01 : f32
          %mul3A_291 = vector.broadcast %mul3A_290 : f32 to vector<16xf32>
          %mul3A_292 = arith.mulf %mul3A_291, %add3A_289 : vector<16xf32>
          %max3A_293 = arith.maximumf %add3A_289, %mul3A_292 : vector<16xf32>
          %mul3A_294 = arith.mulf %max3A_293, %get3A_53 : vector<16xf32>
          %add3A_295 = arith.addf %mul3A_280, %mul3A_294 : vector<16xf32>
          %reduce_sum3A_296 = arith.constant true
          %reduce_sum3A_297 = vector.broadcast %reduce_sum3A_296 : i1 to vector<16xi1>
          %reduce_sum3A_298 = tpu.scan <sum>, %add3A_295 masked %reduce_sum3A_297 : vector<16xf32>, vector<16xi1> -> vector<16xf32>
          %reduce_sum3A_299 = vector.extract %reduce_sum3A_298[15] : f32 from vector<16xf32>
          %broadcast_in_dim3A_300 = vector.broadcast %reduce_sum3A_299 : f32 to vector<16xf32>
          %exp3A_301 = math.exp %broadcast_in_dim3A_300 : vector<16xf32>
          %get3A_302 = arith.index_cast %add3A_199 : i32 to index
          %get3A_303 = arith.constant 96 : index
          %get3A_304 = tpu.vector_load %arg10[%get3A_302, %get3A_303] {strides = array<i32>} : memref<80x128xf32, #tpu.memory_space<vmem>>, vector<16xf32>,
          %add3A_305 = arith.constant 40 : i32
          %add3A_306 = arith.addi %add3A_305, %add3A_199 : i32
          %get3A_307 = arith.index_cast %add3A_306 : i32 to index
          %get3A_308 = arith.constant 96 : index
          %get3A_309 = tpu.vector_load %arg10[%get3A_307, %get3A_308] {strides = array<i32>} : memref<80x128xf32, #tpu.memory_space<vmem>>, vector<16xf32>,
          %add3A_310 = arith.addf %get3A_304, %get3A_309 : vector<16xf32>
          %mul3A_311 = arith.constant 2.000000e-01 : f32
          %mul3A_312 = vector.broadcast %mul3A_311 : f32 to vector<16xf32>
          %mul3A_313 = arith.mulf %mul3A_312, %add3A_310 : vector<16xf32>
          %max3A_314 = arith.maximumf %add3A_310, %mul3A_313 : vector<16xf32>
          %mul3A_315 = arith.mulf %max3A_314, %get3A_55 : vector<16xf32>
          %get3A_316 = arith.index_cast %add3A_199 : i32 to index
          %get3A_317 = arith.constant 112 : index
          %get3A_318 = tpu.vector_load %arg10[%get3A_316, %get3A_317] {strides = array<i32>} : memref<80x128xf32, #tpu.memory_space<vmem>>, vector<16xf32>,
          %add3A_319 = arith.constant 40 : i32
          %add3A_320 = arith.addi %add3A_319, %add3A_199 : i32
          %get3A_321 = arith.index_cast %add3A_320 : i32 to index
          %get3A_322 = arith.constant 112 : index
          %get3A_323 = tpu.vector_load %arg10[%get3A_321, %get3A_322] {strides = array<i32>} : memref<80x128xf32, #tpu.memory_space<vmem>>, vector<16xf32>,
          %add3A_324 = arith.addf %get3A_318, %get3A_323 : vector<16xf32>
          %mul3A_325 = arith.constant 2.000000e-01 : f32
          %mul3A_326 = vector.broadcast %mul3A_325 : f32 to vector<16xf32>
          %mul3A_327 = arith.mulf %mul3A_326, %add3A_324 : vector<16xf32>
          %max3A_328 = arith.maximumf %add3A_324, %mul3A_327 : vector<16xf32>
          %mul3A_329 = arith.mulf %max3A_328, %get3A_57 : vector<16xf32>
          %add3A_330 = arith.addf %mul3A_315, %mul3A_329 : vector<16xf32>
          %reduce_sum3A_331 = arith.constant true
          %reduce_sum3A_332 = vector.broadcast %reduce_sum3A_331 : i1 to vector<16xi1>
          %reduce_sum3A_333 = tpu.scan <sum>, %add3A_330 masked %reduce_sum3A_332 : vector<16xf32>, vector<16xi1> -> vector<16xf32>
          %reduce_sum3A_334 = vector.extract %reduce_sum3A_333[15] : f32 from vector<16xf32>
          %broadcast_in_dim3A_335 = vector.broadcast %reduce_sum3A_334 : f32 to vector<16xf32>
          %exp3A_336 = math.exp %broadcast_in_dim3A_335 : vector<16xf32>
          %mul3A_337 = arith.mulf %get3A_202, %exp3A : vector<16xf32>
          %swap3A_338 = arith.index_cast %add3A_199 : i32 to index
          %swap3A_339 = arith.constant 0 : index
          %swap3A_340 = tpu.vector_load %arg12[%swap3A_338, %swap3A_339] {strides = array<i32>} : memref<80x128xf32, #tpu.memory_space<vmem>>, vector<16xf32>,
          tpu.vector_store %arg12[%swap3A_338, %swap3A_339], %mul3A_337 {strides = array<i32>} : memref<80x128xf32, #tpu.memory_space<vmem>>, vector<16xf32>,
          %add3A_341 = arith.constant 40 : i32
          %add3A_342 = arith.addi %add3A_341, %add3A_199 : i32
          %swap3A_343 = arith.index_cast %add3A_342 : i32 to index
          %swap3A_344 = arith.constant 0 : index
          %swap3A_345 = tpu.vector_load %arg12[%swap3A_343, %swap3A_344] {strides = array<i32>} : memref<80x128xf32, #tpu.memory_space<vmem>>, vector<16xf32>,
          tpu.vector_store %arg12[%swap3A_343, %swap3A_344], %broadcast_in_dim3A_58 {strides = array<i32>} : memref<80x128xf32, #tpu.memory_space<vmem>>, vector<16xf32>,
          %mul3A_346 = arith.mulf %get3A_215, %exp3A : vector<16xf32>
          %swap3A_347 = arith.index_cast %add3A_199 : i32 to index
          %swap3A_348 = arith.constant 16 : index
          %swap3A_349 = tpu.vector_load %arg12[%swap3A_347, %swap3A_348] {strides = array<i32>} : memref<80x128xf32, #tpu.memory_space<vmem>>, vector<16xf32>,
          tpu.vector_store %arg12[%swap3A_347, %swap3A_348], %mul3A_346 {strides = array<i32>} : memref<80x128xf32, #tpu.memory_space<vmem>>, vector<16xf32>,
          %add3A_350 = arith.constant 40 : i32
          %add3A_351 = arith.addi %add3A_350, %add3A_199 : i32
          %swap3A_352 = arith.index_cast %add3A_351 : i32 to index
          %swap3A_353 = arith.constant 16 : index
          %swap3A_354 = tpu.vector_load %arg12[%swap3A_352, %swap3A_353] {strides = array<i32>} : memref<80x128xf32, #tpu.memory_space<vmem>>, vector<16xf32>,
          tpu.vector_store %arg12[%swap3A_352, %swap3A_353], %broadcast_in_dim3A_58 {strides = array<i32>} : memref<80x128xf32, #tpu.memory_space<vmem>>, vector<16xf32>,
          %mul3A_355 = arith.mulf %get3A_234, %exp3A_266 : vector<16xf32>
          %swap3A_356 = arith.index_cast %add3A_199 : i32 to index
          %swap3A_357 = arith.constant 32 : index
          %swap3A_358 = tpu.vector_load %arg12[%swap3A_356, %swap3A_357] {strides = array<i32>} : memref<80x128xf32, #tpu.memory_space<vmem>>, vector<16xf32>,
          tpu.vector_store %arg12[%swap3A_356, %swap3A_357], %mul3A_355 {strides = array<i32>} : memref<80x128xf32, #tpu.memory_space<vmem>>, vector<16xf32>,
          %add3A_359 = arith.constant 40 : i32
          %add3A_360 = arith.addi %add3A_359, %add3A_199 : i32
          %swap3A_361 = arith.index_cast %add3A_360 : i32 to index
          %swap3A_362 = arith.constant 32 : index
          %swap3A_363 = tpu.vector_load %arg12[%swap3A_361, %swap3A_362] {strides = array<i32>} : memref<80x128xf32, #tpu.memory_space<vmem>>, vector<16xf32>,
          tpu.vector_store %arg12[%swap3A_361, %swap3A_362], %broadcast_in_dim3A_58 {strides = array<i32>} : memref<80x128xf32, #tpu.memory_space<vmem>>, vector<16xf32>,
          %mul3A_364 = arith.mulf %get3A_248, %exp3A_266 : vector<16xf32>
          %swap3A_365 = arith.index_cast %add3A_199 : i32 to index
          %swap3A_366 = arith.constant 48 : index
          %swap3A_367 = tpu.vector_load %arg12[%swap3A_365, %swap3A_366] {strides = array<i32>} : memref<80x128xf32, #tpu.memory_space<vmem>>, vector<16xf32>,
          tpu.vector_store %arg12[%swap3A_365, %swap3A_366], %mul3A_364 {strides = array<i32>} : memref<80x128xf32, #tpu.memory_space<vmem>>, vector<16xf32>,
          %add3A_368 = arith.constant 40 : i32
          %add3A_369 = arith.addi %add3A_368, %add3A_199 : i32
          %swap3A_370 = arith.index_cast %add3A_369 : i32 to index
          %swap3A_371 = arith.constant 48 : index
          %swap3A_372 = tpu.vector_load %arg12[%swap3A_370, %swap3A_371] {strides = array<i32>} : memref<80x128xf32, #tpu.memory_space<vmem>>, vector<16xf32>,
          tpu.vector_store %arg12[%swap3A_370, %swap3A_371], %broadcast_in_dim3A_58 {strides = array<i32>} : memref<80x128xf32, #tpu.memory_space<vmem>>, vector<16xf32>,
          %mul3A_373 = arith.mulf %get3A_269, %exp3A_301 : vector<16xf32>
          %swap3A_374 = arith.index_cast %add3A_199 : i32 to index
          %swap3A_375 = arith.constant 64 : index
          %swap3A_376 = tpu.vector_load %arg12[%swap3A_374, %swap3A_375] {strides = array<i32>} : memref<80x128xf32, #tpu.memory_space<vmem>>, vector<16xf32>,
          tpu.vector_store %arg12[%swap3A_374, %swap3A_375], %mul3A_373 {strides = array<i32>} : memref<80x128xf32, #tpu.memory_space<vmem>>, vector<16xf32>,
          %add3A_377 = arith.constant 40 : i32
          %add3A_378 = arith.addi %add3A_377, %add3A_199 : i32
          %swap3A_379 = arith.index_cast %add3A_378 : i32 to index
          %swap3A_380 = arith.constant 64 : index
          %swap3A_381 = tpu.vector_load %arg12[%swap3A_379, %swap3A_380] {strides = array<i32>} : memref<80x128xf32, #tpu.memory_space<vmem>>, vector<16xf32>,
          tpu.vector_store %arg12[%swap3A_379, %swap3A_380], %broadcast_in_dim3A_58 {strides = array<i32>} : memref<80x128xf32, #tpu.memory_space<vmem>>, vector<16xf32>,
          %mul3A_382 = arith.mulf %get3A_283, %exp3A_301 : vector<16xf32>
          %swap3A_383 = arith.index_cast %add3A_199 : i32 to index
          %swap3A_384 = arith.constant 80 : index
          %swap3A_385 = tpu.vector_load %arg12[%swap3A_383, %swap3A_384] {strides = array<i32>} : memref<80x128xf32, #tpu.memory_space<vmem>>, vector<16xf32>,
          tpu.vector_store %arg12[%swap3A_383, %swap3A_384], %mul3A_382 {strides = array<i32>} : memref<80x128xf32, #tpu.memory_space<vmem>>, vector<16xf32>,
          %add3A_386 = arith.constant 40 : i32
          %add3A_387 = arith.addi %add3A_386, %add3A_199 : i32
          %swap3A_388 = arith.index_cast %add3A_387 : i32 to index
          %swap3A_389 = arith.constant 80 : index
          %swap3A_390 = tpu.vector_load %arg12[%swap3A_388, %swap3A_389] {strides = array<i32>} : memref<80x128xf32, #tpu.memory_space<vmem>>, vector<16xf32>,
          tpu.vector_store %arg12[%swap3A_388, %swap3A_389], %broadcast_in_dim3A_58 {strides = array<i32>} : memref<80x128xf32, #tpu.memory_space<vmem>>, vector<16xf32>,
          %mul3A_391 = arith.mulf %get3A_304, %exp3A_336 : vector<16xf32>
          %swap3A_392 = arith.index_cast %add3A_199 : i32 to index
          %swap3A_393 = arith.constant 96 : index
          %swap3A_394 = tpu.vector_load %arg12[%swap3A_392, %swap3A_393] {strides = array<i32>} : memref<80x128xf32, #tpu.memory_space<vmem>>, vector<16xf32>,
          tpu.vector_store %arg12[%swap3A_392, %swap3A_393], %mul3A_391 {strides = array<i32>} : memref<80x128xf32, #tpu.memory_space<vmem>>, vector<16xf32>,
          %add3A_395 = arith.constant 40 : i32
          %add3A_396 = arith.addi %add3A_395, %add3A_199 : i32
          %swap3A_397 = arith.index_cast %add3A_396 : i32 to index
          %swap3A_398 = arith.constant 96 : index
          %swap3A_399 = tpu.vector_load %arg12[%swap3A_397, %swap3A_398] {strides = array<i32>} : memref<80x128xf32, #tpu.memory_space<vmem>>, vector<16xf32>,
          tpu.vector_store %arg12[%swap3A_397, %swap3A_398], %broadcast_in_dim3A_58 {strides = array<i32>} : memref<80x128xf32, #tpu.memory_space<vmem>>, vector<16xf32>,
          %mul3A_400 = arith.mulf %get3A_318, %exp3A_336 : vector<16xf32>
          %swap3A_401 = arith.index_cast %add3A_199 : i32 to index
          %swap3A_402 = arith.constant 112 : index
          %swap3A_403 = tpu.vector_load %arg12[%swap3A_401, %swap3A_402] {strides = array<i32>} : memref<80x128xf32, #tpu.memory_space<vmem>>, vector<16xf32>,
          tpu.vector_store %arg12[%swap3A_401, %swap3A_402], %mul3A_400 {strides = array<i32>} : memref<80x128xf32, #tpu.memory_space<vmem>>, vector<16xf32>,
          %add3A_404 = arith.constant 40 : i32
          %add3A_405 = arith.addi %add3A_404, %add3A_199 : i32
          %swap3A_406 = arith.index_cast %add3A_405 : i32 to index
          %swap3A_407 = arith.constant 112 : index
          %swap3A_408 = tpu.vector_load %arg12[%swap3A_406, %swap3A_407] {strides = array<i32>} : memref<80x128xf32, #tpu.memory_space<vmem>>, vector<16xf32>,
          tpu.vector_store %arg12[%swap3A_406, %swap3A_407], %broadcast_in_dim3A_58 {strides = array<i32>} : memref<80x128xf32, #tpu.memory_space<vmem>>, vector<16xf32>,
          %mul3A_409 = arith.mulf %exp3A, %convert_element_type3A_22 : vector<16xf32>
          %mul3A_410 = arith.mulf %exp3A_266, %convert_element_type3A_27 : vector<16xf32>
          %add3A_411 = arith.addf %mul3A_409, %mul3A_410 : vector<16xf32>
          %mul3A_412 = arith.mulf %exp3A_301, %convert_element_type3A_32 : vector<16xf32>
          %add3A_413 = arith.addf %add3A_411, %mul3A_412 : vector<16xf32>
          %mul3A_414 = arith.mulf %exp3A_336, %convert_element_type3A_37 : vector<16xf32>
          %add3A_415 = arith.addf %add3A_413, %mul3A_414 : vector<16xf32>
          %broadcast_in_dim3A_416 = vector.broadcast %add3A_199 : i32 to vector<16xi32>
          %gather3A = tpu.vector_load_idx %arg14[%broadcast_in_dim3A_416] : memref<80xi32, #tpu.memory_space<vmem>>[vector<16xi32>], vector<16xi32>,
          %and3A_417 = arith.constant 31 : i32
          %and3A_418 = vector.broadcast %and3A_417 : i32 to vector<16xi32>
          %and3A_419 = arith.andi %gather3A, %and3A_418 : vector<16xi32>
          %mul3A_420 = arith.constant 4 : i32
          %mul3A_421 = vector.broadcast %mul3A_420 : i32 to vector<16xi32>
          %mul3A_422 = arith.muli %and3A_419, %mul3A_421 : vector<16xi32>
          %add3A_423 = arith.addi %mul3A_422, %and3A_39 : vector<16xi32>
          %add3A_424 = arith.constant 40 : i32
          %add3A_425 = arith.addi %add3A_424, %add3A_199 : i32
          %broadcast_in_dim3A_426 = vector.broadcast %add3A_425 : i32 to vector<16xi32>
          tpu.vector_store_idx %arg12[%broadcast_in_dim3A_426, %add3A_423], %add3A_415 masked %lt3A_42 : memref<80x128xf32, #tpu.memory_space<vmem>>[vector<16xi32>, vector<16xi32>], vector<16xf32>, vector<16xi1>
        }
        %scan3A_191 = arith.constant 40 : i32
        %dma_start3A_192 = arith.constant 0 : i32
        %dma_start3A_193 = arith.constant 0 : i32
        %dma_start3A_194 = tpu.memref_slice %arg23[%dma_start3A_192, %dma_start3A_193] : memref<10560x128xf32, #tpu.memory_space<vmem_shared>> -> memref<10560x128xf32, #tpu.memory_space<vmem_shared>>
        tpu.enqueue_indirect_dma source(%arg12 : memref<80x128xf32, #tpu.memory_space<vmem>>) target(%dma_start3A_194 : memref<10560x128xf32, #tpu.memory_space<vmem_shared>>) offsets(%arg14 : memref<80xi32, #tpu.memory_space<vmem>>) semaphore(%arg21 : memref<!tpu.dma_semaphore, #tpu.memory_space<semaphore_mem>>) {add = true}
      } else {
      }
      %jit3A_103 = arith.constant 2 : i32
      %eq3A_104 = arith.constant 0 : i32
      %eq3A_105 = arith.cmpi eq, %jit3A_103, %eq3A_104 : i32
      %jit3A_106 = arith.constant 1 : i32
      %select_n3A_107 = arith.select %eq3A_105, %jit3A_106, %jit3A_103 : i32
      %rem3A_108 = arith.remsi %add3A_85, %select_n3A_107 : i32
      %ne3A_109 = arith.constant 0 : i32
      %ne3A_110 = arith.cmpi ne, %rem3A_108, %ne3A_109 : i32
      %lt3A_111 = arith.constant 0 : i32
      %lt3A_112 = arith.cmpi slt, %rem3A_108, %lt3A_111 : i32
      %lt3A_113 = arith.constant 0 : i32
      %lt3A_114 = arith.cmpi slt, %select_n3A_107, %lt3A_113 : i32
      %ne3A_115 = arith.xori %lt3A_112, %lt3A_114 : i1
      %and3A_116 = arith.andi %ne3A_115, %ne3A_110 : i1
      %add3A_117 = arith.addi %rem3A_108, %select_n3A_107 : i32
      %select_n3A_118 = arith.select %and3A_116, %add3A_117, %rem3A_108 : i32
      %eq3A_119 = arith.constant 1 : i32
      %eq3A_120 = arith.cmpi eq, %select_n3A_118, %eq3A_119 : i32
      %convert_element_type3A_121 = arith.extui %eq3A_120 : i1 to i32
      %cond3A_122 = arith.constant 0 : i32
      %cond3A_123 = arith.cmpi ne, %convert_element_type3A_121, %cond3A_122 : i32
      scf.if %cond3A_123 {
        %add3A_124 = arith.constant 1 : i32
        %add3A_125 = arith.addi %add3A_85, %add3A_124 : i32
        %lt3A_126 = arith.constant 250 : i32
        %lt3A_127 = arith.cmpi slt, %add3A_125, %lt3A_126 : i32
        %convert_element_type3A_128 = arith.extui %lt3A_127 : i1 to i32
        %cond3A_129 = arith.constant 0 : i32
        %cond3A_130 = arith.cmpi ne, %convert_element_type3A_128, %cond3A_129 : i32
        scf.if %cond3A_130 {
          %dma_wait3A_195 = arith.constant 0 : i32
          %dma_wait3A_196 = arith.constant 0 : i32
          %dma_wait3A_197 = arith.constant 0 : i32
          %dma_wait3A_198 = tpu.memref_slice %arg3[%add3A, %dma_wait3A_196, %dma_wait3A_197] : memref<32x250x80xi32, #tpu.memory_space<hbm>> -> memref<1x250x80xi32, #tpu.memory_space<hbm>>
          %dma_wait3A_199 = tpu.memref_squeeze %dma_wait3A_198 : memref<1x250x80xi32, #tpu.memory_space<hbm>> -> memref<250x80xi32, #tpu.memory_space<hbm>>
          %dma_wait3A_200 = arith.constant 0 : i32
          %dma_wait3A_201 = tpu.memref_slice %dma_wait3A_199[%dma_wait3A_195, %dma_wait3A_200] : memref<250x80xi32, #tpu.memory_space<hbm>> -> memref<1x80xi32, #tpu.memory_space<hbm>>
          %dma_wait3A_202 = tpu.memref_squeeze %dma_wait3A_201 : memref<1x80xi32, #tpu.memory_space<hbm>> -> memref<80xi32, #tpu.memory_space<hbm>>
          %dma_wait3A_203 = arith.constant 0 : i32
          %dma_wait3A_204 = arith.constant 0 : i32
          %dma_wait3A_205 = tpu.memref_slice %arg3[%add3A, %dma_wait3A_203, %dma_wait3A_204] : memref<32x250x80xi32, #tpu.memory_space<hbm>> -> memref<1x250x80xi32, #tpu.memory_space<hbm>>
          %dma_wait3A_206 = tpu.memref_squeeze %dma_wait3A_205 : memref<1x250x80xi32, #tpu.memory_space<hbm>> -> memref<250x80xi32, #tpu.memory_space<hbm>>
          %dma_wait3A_207 = arith.constant 0 : i32
          %dma_wait3A_208 = tpu.memref_slice %dma_wait3A_206[%dma_wait3A_195, %dma_wait3A_207] : memref<250x80xi32, #tpu.memory_space<hbm>> -> memref<1x80xi32, #tpu.memory_space<hbm>>
          %dma_wait3A_209 = tpu.memref_squeeze %dma_wait3A_208 : memref<1x80xi32, #tpu.memory_space<hbm>> -> memref<80xi32, #tpu.memory_space<hbm>>
          tpu.wait_dma2 semaphore(%arg17 : memref<!tpu.dma_semaphore, #tpu.memory_space<semaphore_mem>>) src(%dma_wait3A_209 : memref<80xi32, #tpu.memory_space<hbm>>) dst(%arg8 : memref<80xi32, #tpu.memory_space<vmem>>)
          %dma_start3A_210 = arith.constant 0 : i32
          %dma_start3A_211 = arith.constant 0 : i32
          %dma_start3A_212 = tpu.memref_slice %arg2[%dma_start3A_210, %dma_start3A_211] : memref<20000x128xf32, #tpu.memory_space<hbm>> -> memref<20000x128xf32, #tpu.memory_space<hbm>>
          tpu.enqueue_indirect_dma source(%dma_start3A_212 : memref<20000x128xf32, #tpu.memory_space<hbm>>) target(%arg10 : memref<80x128xf32, #tpu.memory_space<vmem>>) offsets(%arg8 : memref<80xi32, #tpu.memory_space<vmem>>) semaphore(%arg19 : memref<!tpu.dma_semaphore, #tpu.memory_space<semaphore_mem>>)
        } else {
        }
        %dma_wait3A_131 = arith.constant 0 : i32
        %dma_wait3A_132 = arith.constant 0 : i32
        %dma_wait3A_133 = tpu.memref_slice %arg2[%dma_wait3A_131, %dma_wait3A_132] : memref<20000x128xf32, #tpu.memory_space<hbm>> -> memref<20000x128xf32, #tpu.memory_space<hbm>>
        tpu.wait_indirect_dma semaphore(%arg20 : memref<!tpu.dma_semaphore, #tpu.memory_space<semaphore_mem>>) src(%dma_wait3A_133 : memref<20000x128xf32, #tpu.memory_space<hbm>>) dst(%arg11 : memref<80x128xf32, #tpu.memory_space<vmem>>)
        %ge3A = arith.constant 2 : i32
        %ge3A_134 = arith.cmpi sge, %add3A_85, %ge3A : i32
        %convert_element_type3A_135 = arith.extui %ge3A_134 : i1 to i32
        %cond3A_136 = arith.constant 0 : i32
        %cond3A_137 = arith.cmpi ne, %convert_element_type3A_135, %cond3A_136 : i32
        scf.if %cond3A_137 {
          %dma_wait3A_195 = arith.constant 0 : i32
          %dma_wait3A_196 = arith.constant 0 : i32
          %dma_wait3A_197 = tpu.memref_slice %arg23[%dma_wait3A_195, %dma_wait3A_196] : memref<10560x128xf32, #tpu.memory_space<vmem_shared>> -> memref<10560x128xf32, #tpu.memory_space<vmem_shared>>
          tpu.wait_indirect_dma semaphore(%arg22 : memref<!tpu.dma_semaphore, #tpu.memory_space<semaphore_mem>>) src(%arg13 : memref<80x128xf32, #tpu.memory_space<vmem>>) dst(%dma_wait3A_197 : memref<10560x128xf32, #tpu.memory_space<vmem_shared>>)
        } else {
        }
        %get3A_138 = arith.constant 40 : index
        %get3A_139 = tpu.vector_load %arg9[%get3A_138] {strides = array<i32>} : memref<80xi32, #tpu.memory_space<vmem>>, vector<16xi32>,
        %sub3A = arith.constant 10000 : i32
        %sub3A_140 = vector.broadcast %sub3A : i32 to vector<16xi32>
        %sub3A_141 = arith.subi %get3A_139, %sub3A_140 : vector<16xi32>
        %swap3A = arith.constant 0 : index
        %swap3A_142 = tpu.vector_load %arg15[%swap3A] {strides = array<i32>} : memref<80xi32, #tpu.memory_space<vmem>>, vector<16xi32>,
        tpu.vector_store %arg15[%swap3A], %sub3A_141 {strides = array<i32>} : memref<80xi32, #tpu.memory_space<vmem>>, vector<16xi32>,
        %shift_right_arithmetic3A = arith.constant 5 : i32
        %shift_right_arithmetic3A_143 = vector.broadcast %shift_right_arithmetic3A : i32 to vector<16xi32>
        %shift_right_arithmetic3A_144 = arith.shrsi %sub3A_141, %shift_right_arithmetic3A_143 : vector<16xi32>
        %add3A_145 = arith.constant 10240 : i32
        %add3A_146 = vector.broadcast %add3A_145 : i32 to vector<16xi32>
        %add3A_147 = arith.addi %add3A_146, %shift_right_arithmetic3A_144 : vector<16xi32>
        %swap3A_148 = arith.constant 40 : index
        %swap3A_149 = tpu.vector_load %arg15[%swap3A_148] {strides = array<i32>} : memref<80xi32, #tpu.memory_space<vmem>>, vector<16xi32>,
        tpu.vector_store %arg15[%swap3A_148], %add3A_147 {strides = array<i32>} : memref<80xi32, #tpu.memory_space<vmem>>, vector<16xi32>,
        %get3A_150 = arith.constant 56 : index
        %get3A_151 = tpu.vector_load %arg9[%get3A_150] {strides = array<i32>} : memref<80xi32, #tpu.memory_space<vmem>>, vector<16xi32>,
        %sub3A_152 = arith.constant 10000 : i32
        %sub3A_153 = vector.broadcast %sub3A_152 : i32 to vector<16xi32>
        %sub3A_154 = arith.subi %get3A_151, %sub3A_153 : vector<16xi32>
        %swap3A_155 = arith.constant 16 : index
        %swap3A_156 = tpu.vector_load %arg15[%swap3A_155] {strides = array<i32>} : memref<80xi32, #tpu.memory_space<vmem>>, vector<16xi32>,
        tpu.vector_store %arg15[%swap3A_155], %sub3A_154 {strides = array<i32>} : memref<80xi32, #tpu.memory_space<vmem>>, vector<16xi32>,
        %shift_right_arithmetic3A_157 = arith.constant 5 : i32
        %shift_right_arithmetic3A_158 = vector.broadcast %shift_right_arithmetic3A_157 : i32 to vector<16xi32>
        %shift_right_arithmetic3A_159 = arith.shrsi %sub3A_154, %shift_right_arithmetic3A_158 : vector<16xi32>
        %add3A_160 = arith.constant 10240 : i32
        %add3A_161 = vector.broadcast %add3A_160 : i32 to vector<16xi32>
        %add3A_162 = arith.addi %add3A_161, %shift_right_arithmetic3A_159 : vector<16xi32>
        %swap3A_163 = arith.constant 56 : index
        %swap3A_164 = tpu.vector_load %arg15[%swap3A_163] {strides = array<i32>} : memref<80xi32, #tpu.memory_space<vmem>>, vector<16xi32>,
        tpu.vector_store %arg15[%swap3A_163], %add3A_162 {strides = array<i32>} : memref<80xi32, #tpu.memory_space<vmem>>, vector<16xi32>,
        %get3A_165 = arith.constant 64 : index
        %get3A_166 = tpu.vector_load %arg9[%get3A_165] {strides = array<i32>} : memref<80xi32, #tpu.memory_space<vmem>>, vector<16xi32>,
        %sub3A_167 = arith.constant 10000 : i32
        %sub3A_168 = vector.broadcast %sub3A_167 : i32 to vector<16xi32>
        %sub3A_169 = arith.subi %get3A_166, %sub3A_168 : vector<16xi32>
        %swap3A_170 = arith.constant 24 : index
        %swap3A_171 = tpu.vector_load %arg15[%swap3A_170] {strides = array<i32>} : memref<80xi32, #tpu.memory_space<vmem>>, vector<16xi32>,
        tpu.vector_store %arg15[%swap3A_170], %sub3A_169 {strides = array<i32>} : memref<80xi32, #tpu.memory_space<vmem>>, vector<16xi32>,
        %shift_right_arithmetic3A_172 = arith.constant 5 : i32
        %shift_right_arithmetic3A_173 = vector.broadcast %shift_right_arithmetic3A_172 : i32 to vector<16xi32>
        %shift_right_arithmetic3A_174 = arith.shrsi %sub3A_169, %shift_right_arithmetic3A_173 : vector<16xi32>
        %add3A_175 = arith.constant 10240 : i32
        %add3A_176 = vector.broadcast %add3A_175 : i32 to vector<16xi32>
        %add3A_177 = arith.addi %add3A_176, %shift_right_arithmetic3A_174 : vector<16xi32>
        %swap3A_178 = arith.constant 64 : index
        %swap3A_179 = tpu.vector_load %arg15[%swap3A_178] {strides = array<i32>} : memref<80xi32, #tpu.memory_space<vmem>>, vector<16xi32>,
        tpu.vector_store %arg15[%swap3A_178], %add3A_177 {strides = array<i32>} : memref<80xi32, #tpu.memory_space<vmem>>, vector<16xi32>,
        %add3A_180 = arith.constant 2 : i32
        %add3A_181 = arith.addi %add3A_85, %add3A_180 : i32
        %lt3A_182 = arith.constant 250 : i32
        %lt3A_183 = arith.cmpi slt, %add3A_181, %lt3A_182 : i32
        %convert_element_type3A_184 = arith.extui %lt3A_183 : i1 to i32
        %cond3A_185 = arith.constant 0 : i32
        %cond3A_186 = arith.cmpi ne, %convert_element_type3A_184, %cond3A_185 : i32
        scf.if %cond3A_186 {
          %add3A_195 = arith.constant 2 : i32
          %add3A_196 = arith.addi %add3A_85, %add3A_195 : i32
          %dma_start3A_197 = arith.constant 0 : i32
          %dma_start3A_198 = arith.constant 0 : i32
          %dma_start3A_199 = tpu.memref_slice %arg3[%add3A, %dma_start3A_197, %dma_start3A_198] : memref<32x250x80xi32, #tpu.memory_space<hbm>> -> memref<1x250x80xi32, #tpu.memory_space<hbm>>
          %dma_start3A_200 = tpu.memref_squeeze %dma_start3A_199 : memref<1x250x80xi32, #tpu.memory_space<hbm>> -> memref<250x80xi32, #tpu.memory_space<hbm>>
          %dma_start3A_201 = arith.constant 0 : i32
          %dma_start3A_202 = tpu.memref_slice %dma_start3A_200[%add3A_196, %dma_start3A_201] : memref<250x80xi32, #tpu.memory_space<hbm>> -> memref<1x80xi32, #tpu.memory_space<hbm>>
          %dma_start3A_203 = tpu.memref_squeeze %dma_start3A_202 : memref<1x80xi32, #tpu.memory_space<hbm>> -> memref<80xi32, #tpu.memory_space<hbm>>
          %dma_start3A_204 = arith.constant 0 : i32
          %dma_start3A_205 = arith.constant 0 : i32
          %dma_start3A_206 = tpu.memref_slice %arg3[%add3A, %dma_start3A_204, %dma_start3A_205] : memref<32x250x80xi32, #tpu.memory_space<hbm>> -> memref<1x250x80xi32, #tpu.memory_space<hbm>>
          %dma_start3A_207 = tpu.memref_squeeze %dma_start3A_206 : memref<1x250x80xi32, #tpu.memory_space<hbm>> -> memref<250x80xi32, #tpu.memory_space<hbm>>
          %dma_start3A_208 = arith.constant 0 : i32
          %dma_start3A_209 = tpu.memref_slice %dma_start3A_207[%add3A_196, %dma_start3A_208] : memref<250x80xi32, #tpu.memory_space<hbm>> -> memref<1x80xi32, #tpu.memory_space<hbm>>
          %dma_start3A_210 = tpu.memref_squeeze %dma_start3A_209 : memref<1x80xi32, #tpu.memory_space<hbm>> -> memref<80xi32, #tpu.memory_space<hbm>>
          tpu.enqueue_dma source(%dma_start3A_210 : memref<80xi32, #tpu.memory_space<hbm>>) target(%arg9 : memref<80xi32, #tpu.memory_space<vmem>>) target_semaphore(%arg18 : memref<!tpu.dma_semaphore, #tpu.memory_space<semaphore_mem>>)
        } else {
        }
        %scan3A_187 = arith.constant 0 : i32
        %scan3A_188 = arith.constant 40 : i32
        %scan3A_189 = arith.addi %scan3A_187, %scan3A_188 : i32
        %scan3A_190 = arith.constant 1 : i32
        scf.for %scan3A_195 = %scan3A_187 to %scan3A_189 step %scan3A_190  : i32 {
          %mul3A_196 = arith.constant 1 : i32
          %mul3A_197 = arith.muli %scan3A_195, %mul3A_196 : i32
          %add3A_198 = arith.constant 0 : i32
          %add3A_199 = arith.addi %add3A_198, %mul3A_197 : i32
          %get3A_200 = arith.index_cast %add3A_199 : i32 to index
          %get3A_201 = arith.constant 0 : index
          %get3A_202 = tpu.vector_load %arg11[%get3A_200, %get3A_201] {strides = array<i32>} : memref<80x128xf32, #tpu.memory_space<vmem>>, vector<16xf32>,
          %add3A_203 = arith.constant 40 : i32
          %add3A_204 = arith.addi %add3A_203, %add3A_199 : i32
          %get3A_205 = arith.index_cast %add3A_204 : i32 to index
          %get3A_206 = arith.constant 0 : index
          %get3A_207 = tpu.vector_load %arg11[%get3A_205, %get3A_206] {strides = array<i32>} : memref<80x128xf32, #tpu.memory_space<vmem>>, vector<16xf32>,
          %add3A_208 = arith.addf %get3A_202, %get3A_207 : vector<16xf32>
          %mul3A_209 = arith.constant 2.000000e-01 : f32
          %mul3A_210 = vector.broadcast %mul3A_209 : f32 to vector<16xf32>
          %mul3A_211 = arith.mulf %mul3A_210, %add3A_208 : vector<16xf32>
          %max3A = arith.maximumf %add3A_208, %mul3A_211 : vector<16xf32>
          %mul3A_212 = arith.mulf %max3A, %get3A_43 : vector<16xf32>
          %get3A_213 = arith.index_cast %add3A_199 : i32 to index
          %get3A_214 = arith.constant 16 : index
          %get3A_215 = tpu.vector_load %arg11[%get3A_213, %get3A_214] {strides = array<i32>} : memref<80x128xf32, #tpu.memory_space<vmem>>, vector<16xf32>,
          %add3A_216 = arith.constant 40 : i32
          %add3A_217 = arith.addi %add3A_216, %add3A_199 : i32
          %get3A_218 = arith.index_cast %add3A_217 : i32 to index
          %get3A_219 = arith.constant 16 : index
          %get3A_220 = tpu.vector_load %arg11[%get3A_218, %get3A_219] {strides = array<i32>} : memref<80x128xf32, #tpu.memory_space<vmem>>, vector<16xf32>,
          %add3A_221 = arith.addf %get3A_215, %get3A_220 : vector<16xf32>
          %mul3A_222 = arith.constant 2.000000e-01 : f32
          %mul3A_223 = vector.broadcast %mul3A_222 : f32 to vector<16xf32>
          %mul3A_224 = arith.mulf %mul3A_223, %add3A_221 : vector<16xf32>
          %max3A_225 = arith.maximumf %add3A_221, %mul3A_224 : vector<16xf32>
          %mul3A_226 = arith.mulf %max3A_225, %get3A_45 : vector<16xf32>
          %add3A_227 = arith.addf %mul3A_212, %mul3A_226 : vector<16xf32>
          %reduce_sum3A = arith.constant true
          %reduce_sum3A_228 = vector.broadcast %reduce_sum3A : i1 to vector<16xi1>
          %reduce_sum3A_229 = tpu.scan <sum>, %add3A_227 masked %reduce_sum3A_228 : vector<16xf32>, vector<16xi1> -> vector<16xf32>
          %reduce_sum3A_230 = vector.extract %reduce_sum3A_229[15] : f32 from vector<16xf32>
          %broadcast_in_dim3A_231 = vector.broadcast %reduce_sum3A_230 : f32 to vector<16xf32>
          %exp3A = math.exp %broadcast_in_dim3A_231 : vector<16xf32>
          %get3A_232 = arith.index_cast %add3A_199 : i32 to index
          %get3A_233 = arith.constant 32 : index
          %get3A_234 = tpu.vector_load %arg11[%get3A_232, %get3A_233] {strides = array<i32>} : memref<80x128xf32, #tpu.memory_space<vmem>>, vector<16xf32>,
          %add3A_235 = arith.constant 40 : i32
          %add3A_236 = arith.addi %add3A_235, %add3A_199 : i32
          %get3A_237 = arith.index_cast %add3A_236 : i32 to index
          %get3A_238 = arith.constant 32 : index
          %get3A_239 = tpu.vector_load %arg11[%get3A_237, %get3A_238] {strides = array<i32>} : memref<80x128xf32, #tpu.memory_space<vmem>>, vector<16xf32>,
          %add3A_240 = arith.addf %get3A_234, %get3A_239 : vector<16xf32>
          %mul3A_241 = arith.constant 2.000000e-01 : f32
          %mul3A_242 = vector.broadcast %mul3A_241 : f32 to vector<16xf32>
          %mul3A_243 = arith.mulf %mul3A_242, %add3A_240 : vector<16xf32>
          %max3A_244 = arith.maximumf %add3A_240, %mul3A_243 : vector<16xf32>
          %mul3A_245 = arith.mulf %max3A_244, %get3A_47 : vector<16xf32>
          %get3A_246 = arith.index_cast %add3A_199 : i32 to index
          %get3A_247 = arith.constant 48 : index
          %get3A_248 = tpu.vector_load %arg11[%get3A_246, %get3A_247] {strides = array<i32>} : memref<80x128xf32, #tpu.memory_space<vmem>>, vector<16xf32>,
          %add3A_249 = arith.constant 40 : i32
          %add3A_250 = arith.addi %add3A_249, %add3A_199 : i32
          %get3A_251 = arith.index_cast %add3A_250 : i32 to index
          %get3A_252 = arith.constant 48 : index
          %get3A_253 = tpu.vector_load %arg11[%get3A_251, %get3A_252] {strides = array<i32>} : memref<80x128xf32, #tpu.memory_space<vmem>>, vector<16xf32>,
          %add3A_254 = arith.addf %get3A_248, %get3A_253 : vector<16xf32>
          %mul3A_255 = arith.constant 2.000000e-01 : f32
          %mul3A_256 = vector.broadcast %mul3A_255 : f32 to vector<16xf32>
          %mul3A_257 = arith.mulf %mul3A_256, %add3A_254 : vector<16xf32>
          %max3A_258 = arith.maximumf %add3A_254, %mul3A_257 : vector<16xf32>
          %mul3A_259 = arith.mulf %max3A_258, %get3A_49 : vector<16xf32>
          %add3A_260 = arith.addf %mul3A_245, %mul3A_259 : vector<16xf32>
          %reduce_sum3A_261 = arith.constant true
          %reduce_sum3A_262 = vector.broadcast %reduce_sum3A_261 : i1 to vector<16xi1>
          %reduce_sum3A_263 = tpu.scan <sum>, %add3A_260 masked %reduce_sum3A_262 : vector<16xf32>, vector<16xi1> -> vector<16xf32>
          %reduce_sum3A_264 = vector.extract %reduce_sum3A_263[15] : f32 from vector<16xf32>
          %broadcast_in_dim3A_265 = vector.broadcast %reduce_sum3A_264 : f32 to vector<16xf32>
          %exp3A_266 = math.exp %broadcast_in_dim3A_265 : vector<16xf32>
          %get3A_267 = arith.index_cast %add3A_199 : i32 to index
          %get3A_268 = arith.constant 64 : index
          %get3A_269 = tpu.vector_load %arg11[%get3A_267, %get3A_268] {strides = array<i32>} : memref<80x128xf32, #tpu.memory_space<vmem>>, vector<16xf32>,
          %add3A_270 = arith.constant 40 : i32
          %add3A_271 = arith.addi %add3A_270, %add3A_199 : i32
          %get3A_272 = arith.index_cast %add3A_271 : i32 to index
          %get3A_273 = arith.constant 64 : index
          %get3A_274 = tpu.vector_load %arg11[%get3A_272, %get3A_273] {strides = array<i32>} : memref<80x128xf32, #tpu.memory_space<vmem>>, vector<16xf32>,
          %add3A_275 = arith.addf %get3A_269, %get3A_274 : vector<16xf32>
          %mul3A_276 = arith.constant 2.000000e-01 : f32
          %mul3A_277 = vector.broadcast %mul3A_276 : f32 to vector<16xf32>
          %mul3A_278 = arith.mulf %mul3A_277, %add3A_275 : vector<16xf32>
          %max3A_279 = arith.maximumf %add3A_275, %mul3A_278 : vector<16xf32>
          %mul3A_280 = arith.mulf %max3A_279, %get3A_51 : vector<16xf32>
          %get3A_281 = arith.index_cast %add3A_199 : i32 to index
          %get3A_282 = arith.constant 80 : index
          %get3A_283 = tpu.vector_load %arg11[%get3A_281, %get3A_282] {strides = array<i32>} : memref<80x128xf32, #tpu.memory_space<vmem>>, vector<16xf32>,
          %add3A_284 = arith.constant 40 : i32
          %add3A_285 = arith.addi %add3A_284, %add3A_199 : i32
          %get3A_286 = arith.index_cast %add3A_285 : i32 to index
          %get3A_287 = arith.constant 80 : index
          %get3A_288 = tpu.vector_load %arg11[%get3A_286, %get3A_287] {strides = array<i32>} : memref<80x128xf32, #tpu.memory_space<vmem>>, vector<16xf32>,
          %add3A_289 = arith.addf %get3A_283, %get3A_288 : vector<16xf32>
          %mul3A_290 = arith.constant 2.000000e-01 : f32
          %mul3A_291 = vector.broadcast %mul3A_290 : f32 to vector<16xf32>
          %mul3A_292 = arith.mulf %mul3A_291, %add3A_289 : vector<16xf32>
          %max3A_293 = arith.maximumf %add3A_289, %mul3A_292 : vector<16xf32>
          %mul3A_294 = arith.mulf %max3A_293, %get3A_53 : vector<16xf32>
          %add3A_295 = arith.addf %mul3A_280, %mul3A_294 : vector<16xf32>
          %reduce_sum3A_296 = arith.constant true
          %reduce_sum3A_297 = vector.broadcast %reduce_sum3A_296 : i1 to vector<16xi1>
          %reduce_sum3A_298 = tpu.scan <sum>, %add3A_295 masked %reduce_sum3A_297 : vector<16xf32>, vector<16xi1> -> vector<16xf32>
          %reduce_sum3A_299 = vector.extract %reduce_sum3A_298[15] : f32 from vector<16xf32>
          %broadcast_in_dim3A_300 = vector.broadcast %reduce_sum3A_299 : f32 to vector<16xf32>
          %exp3A_301 = math.exp %broadcast_in_dim3A_300 : vector<16xf32>
          %get3A_302 = arith.index_cast %add3A_199 : i32 to index
          %get3A_303 = arith.constant 96 : index
          %get3A_304 = tpu.vector_load %arg11[%get3A_302, %get3A_303] {strides = array<i32>} : memref<80x128xf32, #tpu.memory_space<vmem>>, vector<16xf32>,
          %add3A_305 = arith.constant 40 : i32
          %add3A_306 = arith.addi %add3A_305, %add3A_199 : i32
          %get3A_307 = arith.index_cast %add3A_306 : i32 to index
          %get3A_308 = arith.constant 96 : index
          %get3A_309 = tpu.vector_load %arg11[%get3A_307, %get3A_308] {strides = array<i32>} : memref<80x128xf32, #tpu.memory_space<vmem>>, vector<16xf32>,
          %add3A_310 = arith.addf %get3A_304, %get3A_309 : vector<16xf32>
          %mul3A_311 = arith.constant 2.000000e-01 : f32
          %mul3A_312 = vector.broadcast %mul3A_311 : f32 to vector<16xf32>
          %mul3A_313 = arith.mulf %mul3A_312, %add3A_310 : vector<16xf32>
          %max3A_314 = arith.maximumf %add3A_310, %mul3A_313 : vector<16xf32>
          %mul3A_315 = arith.mulf %max3A_314, %get3A_55 : vector<16xf32>
          %get3A_316 = arith.index_cast %add3A_199 : i32 to index
          %get3A_317 = arith.constant 112 : index
          %get3A_318 = tpu.vector_load %arg11[%get3A_316, %get3A_317] {strides = array<i32>} : memref<80x128xf32, #tpu.memory_space<vmem>>, vector<16xf32>,
          %add3A_319 = arith.constant 40 : i32
          %add3A_320 = arith.addi %add3A_319, %add3A_199 : i32
          %get3A_321 = arith.index_cast %add3A_320 : i32 to index
          %get3A_322 = arith.constant 112 : index
          %get3A_323 = tpu.vector_load %arg11[%get3A_321, %get3A_322] {strides = array<i32>} : memref<80x128xf32, #tpu.memory_space<vmem>>, vector<16xf32>,
          %add3A_324 = arith.addf %get3A_318, %get3A_323 : vector<16xf32>
          %mul3A_325 = arith.constant 2.000000e-01 : f32
          %mul3A_326 = vector.broadcast %mul3A_325 : f32 to vector<16xf32>
          %mul3A_327 = arith.mulf %mul3A_326, %add3A_324 : vector<16xf32>
          %max3A_328 = arith.maximumf %add3A_324, %mul3A_327 : vector<16xf32>
          %mul3A_329 = arith.mulf %max3A_328, %get3A_57 : vector<16xf32>
          %add3A_330 = arith.addf %mul3A_315, %mul3A_329 : vector<16xf32>
          %reduce_sum3A_331 = arith.constant true
          %reduce_sum3A_332 = vector.broadcast %reduce_sum3A_331 : i1 to vector<16xi1>
          %reduce_sum3A_333 = tpu.scan <sum>, %add3A_330 masked %reduce_sum3A_332 : vector<16xf32>, vector<16xi1> -> vector<16xf32>
          %reduce_sum3A_334 = vector.extract %reduce_sum3A_333[15] : f32 from vector<16xf32>
          %broadcast_in_dim3A_335 = vector.broadcast %reduce_sum3A_334 : f32 to vector<16xf32>
          %exp3A_336 = math.exp %broadcast_in_dim3A_335 : vector<16xf32>
          %mul3A_337 = arith.mulf %get3A_202, %exp3A : vector<16xf32>
          %swap3A_338 = arith.index_cast %add3A_199 : i32 to index
          %swap3A_339 = arith.constant 0 : index
          %swap3A_340 = tpu.vector_load %arg13[%swap3A_338, %swap3A_339] {strides = array<i32>} : memref<80x128xf32, #tpu.memory_space<vmem>>, vector<16xf32>,
          tpu.vector_store %arg13[%swap3A_338, %swap3A_339], %mul3A_337 {strides = array<i32>} : memref<80x128xf32, #tpu.memory_space<vmem>>, vector<16xf32>,
          %add3A_341 = arith.constant 40 : i32
          %add3A_342 = arith.addi %add3A_341, %add3A_199 : i32
          %swap3A_343 = arith.index_cast %add3A_342 : i32 to index
          %swap3A_344 = arith.constant 0 : index
          %swap3A_345 = tpu.vector_load %arg13[%swap3A_343, %swap3A_344] {strides = array<i32>} : memref<80x128xf32, #tpu.memory_space<vmem>>, vector<16xf32>,
          tpu.vector_store %arg13[%swap3A_343, %swap3A_344], %broadcast_in_dim3A_58 {strides = array<i32>} : memref<80x128xf32, #tpu.memory_space<vmem>>, vector<16xf32>,
          %mul3A_346 = arith.mulf %get3A_215, %exp3A : vector<16xf32>
          %swap3A_347 = arith.index_cast %add3A_199 : i32 to index
          %swap3A_348 = arith.constant 16 : index
          %swap3A_349 = tpu.vector_load %arg13[%swap3A_347, %swap3A_348] {strides = array<i32>} : memref<80x128xf32, #tpu.memory_space<vmem>>, vector<16xf32>,
          tpu.vector_store %arg13[%swap3A_347, %swap3A_348], %mul3A_346 {strides = array<i32>} : memref<80x128xf32, #tpu.memory_space<vmem>>, vector<16xf32>,
          %add3A_350 = arith.constant 40 : i32
          %add3A_351 = arith.addi %add3A_350, %add3A_199 : i32
          %swap3A_352 = arith.index_cast %add3A_351 : i32 to index
          %swap3A_353 = arith.constant 16 : index
          %swap3A_354 = tpu.vector_load %arg13[%swap3A_352, %swap3A_353] {strides = array<i32>} : memref<80x128xf32, #tpu.memory_space<vmem>>, vector<16xf32>,
          tpu.vector_store %arg13[%swap3A_352, %swap3A_353], %broadcast_in_dim3A_58 {strides = array<i32>} : memref<80x128xf32, #tpu.memory_space<vmem>>, vector<16xf32>,
          %mul3A_355 = arith.mulf %get3A_234, %exp3A_266 : vector<16xf32>
          %swap3A_356 = arith.index_cast %add3A_199 : i32 to index
          %swap3A_357 = arith.constant 32 : index
          %swap3A_358 = tpu.vector_load %arg13[%swap3A_356, %swap3A_357] {strides = array<i32>} : memref<80x128xf32, #tpu.memory_space<vmem>>, vector<16xf32>,
          tpu.vector_store %arg13[%swap3A_356, %swap3A_357], %mul3A_355 {strides = array<i32>} : memref<80x128xf32, #tpu.memory_space<vmem>>, vector<16xf32>,
          %add3A_359 = arith.constant 40 : i32
          %add3A_360 = arith.addi %add3A_359, %add3A_199 : i32
          %swap3A_361 = arith.index_cast %add3A_360 : i32 to index
          %swap3A_362 = arith.constant 32 : index
          %swap3A_363 = tpu.vector_load %arg13[%swap3A_361, %swap3A_362] {strides = array<i32>} : memref<80x128xf32, #tpu.memory_space<vmem>>, vector<16xf32>,
          tpu.vector_store %arg13[%swap3A_361, %swap3A_362], %broadcast_in_dim3A_58 {strides = array<i32>} : memref<80x128xf32, #tpu.memory_space<vmem>>, vector<16xf32>,
          %mul3A_364 = arith.mulf %get3A_248, %exp3A_266 : vector<16xf32>
          %swap3A_365 = arith.index_cast %add3A_199 : i32 to index
          %swap3A_366 = arith.constant 48 : index
          %swap3A_367 = tpu.vector_load %arg13[%swap3A_365, %swap3A_366] {strides = array<i32>} : memref<80x128xf32, #tpu.memory_space<vmem>>, vector<16xf32>,
          tpu.vector_store %arg13[%swap3A_365, %swap3A_366], %mul3A_364 {strides = array<i32>} : memref<80x128xf32, #tpu.memory_space<vmem>>, vector<16xf32>,
          %add3A_368 = arith.constant 40 : i32
          %add3A_369 = arith.addi %add3A_368, %add3A_199 : i32
          %swap3A_370 = arith.index_cast %add3A_369 : i32 to index
          %swap3A_371 = arith.constant 48 : index
          %swap3A_372 = tpu.vector_load %arg13[%swap3A_370, %swap3A_371] {strides = array<i32>} : memref<80x128xf32, #tpu.memory_space<vmem>>, vector<16xf32>,
          tpu.vector_store %arg13[%swap3A_370, %swap3A_371], %broadcast_in_dim3A_58 {strides = array<i32>} : memref<80x128xf32, #tpu.memory_space<vmem>>, vector<16xf32>,
          %mul3A_373 = arith.mulf %get3A_269, %exp3A_301 : vector<16xf32>
          %swap3A_374 = arith.index_cast %add3A_199 : i32 to index
          %swap3A_375 = arith.constant 64 : index
          %swap3A_376 = tpu.vector_load %arg13[%swap3A_374, %swap3A_375] {strides = array<i32>} : memref<80x128xf32, #tpu.memory_space<vmem>>, vector<16xf32>,
          tpu.vector_store %arg13[%swap3A_374, %swap3A_375], %mul3A_373 {strides = array<i32>} : memref<80x128xf32, #tpu.memory_space<vmem>>, vector<16xf32>,
          %add3A_377 = arith.constant 40 : i32
          %add3A_378 = arith.addi %add3A_377, %add3A_199 : i32
          %swap3A_379 = arith.index_cast %add3A_378 : i32 to index
          %swap3A_380 = arith.constant 64 : index
          %swap3A_381 = tpu.vector_load %arg13[%swap3A_379, %swap3A_380] {strides = array<i32>} : memref<80x128xf32, #tpu.memory_space<vmem>>, vector<16xf32>,
          tpu.vector_store %arg13[%swap3A_379, %swap3A_380], %broadcast_in_dim3A_58 {strides = array<i32>} : memref<80x128xf32, #tpu.memory_space<vmem>>, vector<16xf32>,
          %mul3A_382 = arith.mulf %get3A_283, %exp3A_301 : vector<16xf32>
          %swap3A_383 = arith.index_cast %add3A_199 : i32 to index
          %swap3A_384 = arith.constant 80 : index
          %swap3A_385 = tpu.vector_load %arg13[%swap3A_383, %swap3A_384] {strides = array<i32>} : memref<80x128xf32, #tpu.memory_space<vmem>>, vector<16xf32>,
          tpu.vector_store %arg13[%swap3A_383, %swap3A_384], %mul3A_382 {strides = array<i32>} : memref<80x128xf32, #tpu.memory_space<vmem>>, vector<16xf32>,
          %add3A_386 = arith.constant 40 : i32
          %add3A_387 = arith.addi %add3A_386, %add3A_199 : i32
          %swap3A_388 = arith.index_cast %add3A_387 : i32 to index
          %swap3A_389 = arith.constant 80 : index
          %swap3A_390 = tpu.vector_load %arg13[%swap3A_388, %swap3A_389] {strides = array<i32>} : memref<80x128xf32, #tpu.memory_space<vmem>>, vector<16xf32>,
          tpu.vector_store %arg13[%swap3A_388, %swap3A_389], %broadcast_in_dim3A_58 {strides = array<i32>} : memref<80x128xf32, #tpu.memory_space<vmem>>, vector<16xf32>,
          %mul3A_391 = arith.mulf %get3A_304, %exp3A_336 : vector<16xf32>
          %swap3A_392 = arith.index_cast %add3A_199 : i32 to index
          %swap3A_393 = arith.constant 96 : index
          %swap3A_394 = tpu.vector_load %arg13[%swap3A_392, %swap3A_393] {strides = array<i32>} : memref<80x128xf32, #tpu.memory_space<vmem>>, vector<16xf32>,
          tpu.vector_store %arg13[%swap3A_392, %swap3A_393], %mul3A_391 {strides = array<i32>} : memref<80x128xf32, #tpu.memory_space<vmem>>, vector<16xf32>,
          %add3A_395 = arith.constant 40 : i32
          %add3A_396 = arith.addi %add3A_395, %add3A_199 : i32
          %swap3A_397 = arith.index_cast %add3A_396 : i32 to index
          %swap3A_398 = arith.constant 96 : index
          %swap3A_399 = tpu.vector_load %arg13[%swap3A_397, %swap3A_398] {strides = array<i32>} : memref<80x128xf32, #tpu.memory_space<vmem>>, vector<16xf32>,
          tpu.vector_store %arg13[%swap3A_397, %swap3A_398], %broadcast_in_dim3A_58 {strides = array<i32>} : memref<80x128xf32, #tpu.memory_space<vmem>>, vector<16xf32>,
          %mul3A_400 = arith.mulf %get3A_318, %exp3A_336 : vector<16xf32>
          %swap3A_401 = arith.index_cast %add3A_199 : i32 to index
          %swap3A_402 = arith.constant 112 : index
          %swap3A_403 = tpu.vector_load %arg13[%swap3A_401, %swap3A_402] {strides = array<i32>} : memref<80x128xf32, #tpu.memory_space<vmem>>, vector<16xf32>,
          tpu.vector_store %arg13[%swap3A_401, %swap3A_402], %mul3A_400 {strides = array<i32>} : memref<80x128xf32, #tpu.memory_space<vmem>>, vector<16xf32>,
          %add3A_404 = arith.constant 40 : i32
          %add3A_405 = arith.addi %add3A_404, %add3A_199 : i32
          %swap3A_406 = arith.index_cast %add3A_405 : i32 to index
          %swap3A_407 = arith.constant 112 : index
          %swap3A_408 = tpu.vector_load %arg13[%swap3A_406, %swap3A_407] {strides = array<i32>} : memref<80x128xf32, #tpu.memory_space<vmem>>, vector<16xf32>,
          tpu.vector_store %arg13[%swap3A_406, %swap3A_407], %broadcast_in_dim3A_58 {strides = array<i32>} : memref<80x128xf32, #tpu.memory_space<vmem>>, vector<16xf32>,
          %mul3A_409 = arith.mulf %exp3A, %convert_element_type3A_22 : vector<16xf32>
          %mul3A_410 = arith.mulf %exp3A_266, %convert_element_type3A_27 : vector<16xf32>
          %add3A_411 = arith.addf %mul3A_409, %mul3A_410 : vector<16xf32>
          %mul3A_412 = arith.mulf %exp3A_301, %convert_element_type3A_32 : vector<16xf32>
          %add3A_413 = arith.addf %add3A_411, %mul3A_412 : vector<16xf32>
          %mul3A_414 = arith.mulf %exp3A_336, %convert_element_type3A_37 : vector<16xf32>
          %add3A_415 = arith.addf %add3A_413, %mul3A_414 : vector<16xf32>
          %broadcast_in_dim3A_416 = vector.broadcast %add3A_199 : i32 to vector<16xi32>
          %gather3A = tpu.vector_load_idx %arg15[%broadcast_in_dim3A_416] : memref<80xi32, #tpu.memory_space<vmem>>[vector<16xi32>], vector<16xi32>,
          %and3A_417 = arith.constant 31 : i32
          %and3A_418 = vector.broadcast %and3A_417 : i32 to vector<16xi32>
          %and3A_419 = arith.andi %gather3A, %and3A_418 : vector<16xi32>
          %mul3A_420 = arith.constant 4 : i32
          %mul3A_421 = vector.broadcast %mul3A_420 : i32 to vector<16xi32>
          %mul3A_422 = arith.muli %and3A_419, %mul3A_421 : vector<16xi32>
          %add3A_423 = arith.addi %mul3A_422, %and3A_39 : vector<16xi32>
          %add3A_424 = arith.constant 40 : i32
          %add3A_425 = arith.addi %add3A_424, %add3A_199 : i32
          %broadcast_in_dim3A_426 = vector.broadcast %add3A_425 : i32 to vector<16xi32>
          tpu.vector_store_idx %arg13[%broadcast_in_dim3A_426, %add3A_423], %add3A_415 masked %lt3A_42 : memref<80x128xf32, #tpu.memory_space<vmem>>[vector<16xi32>, vector<16xi32>], vector<16xf32>, vector<16xi1>
        }
        %scan3A_191 = arith.constant 40 : i32
        %dma_start3A_192 = arith.constant 0 : i32
        %dma_start3A_193 = arith.constant 0 : i32
        %dma_start3A_194 = tpu.memref_slice %arg23[%dma_start3A_192, %dma_start3A_193] : memref<10560x128xf32, #tpu.memory_space<vmem_shared>> -> memref<10560x128xf32, #tpu.memory_space<vmem_shared>>
        tpu.enqueue_indirect_dma source(%arg13 : memref<80x128xf32, #tpu.memory_space<vmem>>) target(%dma_start3A_194 : memref<10560x128xf32, #tpu.memory_space<vmem_shared>>) offsets(%arg15 : memref<80xi32, #tpu.memory_space<vmem>>) semaphore(%arg22 : memref<!tpu.dma_semaphore, #tpu.memory_space<semaphore_mem>>) {add = true}
      } else {
      }
    }
    %scan3A_65 = arith.constant 250 : i32
    %dma_wait3A = arith.constant 0 : i32
    %dma_wait3A_66 = arith.constant 0 : i32
    %dma_wait3A_67 = tpu.memref_slice %arg23[%dma_wait3A, %dma_wait3A_66] : memref<10560x128xf32, #tpu.memory_space<vmem_shared>> -> memref<10560x128xf32, #tpu.memory_space<vmem_shared>>
    tpu.wait_indirect_dma semaphore(%arg21 : memref<!tpu.dma_semaphore, #tpu.memory_space<semaphore_mem>>) src(%arg12 : memref<80x128xf32, #tpu.memory_space<vmem>>) dst(%dma_wait3A_67 : memref<10560x128xf32, #tpu.memory_space<vmem_shared>>)
    %dma_wait3A_68 = arith.constant 0 : i32
    %dma_wait3A_69 = arith.constant 0 : i32
    %dma_wait3A_70 = tpu.memref_slice %arg23[%dma_wait3A_68, %dma_wait3A_69] : memref<10560x128xf32, #tpu.memory_space<vmem_shared>> -> memref<10560x128xf32, #tpu.memory_space<vmem_shared>>
    tpu.wait_indirect_dma semaphore(%arg22 : memref<!tpu.dma_semaphore, #tpu.memory_space<semaphore_mem>>) src(%arg13 : memref<80x128xf32, #tpu.memory_space<vmem>>) dst(%dma_wait3A_70 : memref<10560x128xf32, #tpu.memory_space<vmem_shared>>)
    %barrier3A_71 = arith.constant 0 : index
    tpu.barrier barrier_id(%barrier3A_71)
    %mul3A_72 = arith.constant 640 : i32
    %mul3A_73 = arith.muli %arg1, %mul3A_72 : i32
    %mul3A_74 = arith.constant 640 : i32
    %mul3A_75 = arith.muli %arg1, %mul3A_74 : i32
    "tpu.region"() ({
      %run_scoped3A_81 = tpu.sem_alloc : memref<!tpu.dma_semaphore, #tpu.memory_space<semaphore_mem>>
      %dma_start3A_82 = arith.constant 0 : i32
      %dma_start3A_83 = arith.constant 0 : i32
      %dma_start3A_84 = tpu.memref_slice %arg6[%arg0, %dma_start3A_82, %dma_start3A_83] : memref<2x10240x128xf32, #tpu.memory_space<hbm>> -> memref<1x10240x128xf32, #tpu.memory_space<hbm>>
      %dma_start3A_85 = tpu.memref_squeeze %dma_start3A_84 : memref<1x10240x128xf32, #tpu.memory_space<hbm>> -> memref<10240x128xf32, #tpu.memory_space<hbm>>
      %dma_start3A_86 = arith.constant 0 : i32
      %dma_start3A_87 = tpu.memref_slice %dma_start3A_85[%mul3A_75, %dma_start3A_86] : memref<10240x128xf32, #tpu.memory_space<hbm>> -> memref<640x128xf32, #tpu.memory_space<hbm>>
      %dma_start3A_88 = arith.constant 0 : i32
      %dma_start3A_89 = tpu.memref_slice %arg23[%mul3A_73, %dma_start3A_88] : memref<10560x128xf32, #tpu.memory_space<vmem_shared>> -> memref<640x128xf32, #tpu.memory_space<vmem_shared>>
      tpu.enqueue_dma source(%dma_start3A_89 : memref<640x128xf32, #tpu.memory_space<vmem_shared>>) target(%dma_start3A_87 : memref<640x128xf32, #tpu.memory_space<hbm>>) target_semaphore(%run_scoped3A_81 : memref<!tpu.dma_semaphore, #tpu.memory_space<semaphore_mem>>)
      %dma_wait3A_90 = arith.constant 0 : i32
      %dma_wait3A_91 = arith.constant 0 : i32
      %dma_wait3A_92 = tpu.memref_slice %arg6[%arg0, %dma_wait3A_90, %dma_wait3A_91] : memref<2x10240x128xf32, #tpu.memory_space<hbm>> -> memref<1x10240x128xf32, #tpu.memory_space<hbm>>
      %dma_wait3A_93 = tpu.memref_squeeze %dma_wait3A_92 : memref<1x10240x128xf32, #tpu.memory_space<hbm>> -> memref<10240x128xf32, #tpu.memory_space<hbm>>
      %dma_wait3A_94 = arith.constant 0 : i32
      %dma_wait3A_95 = tpu.memref_slice %dma_wait3A_93[%mul3A_75, %dma_wait3A_94] : memref<10240x128xf32, #tpu.memory_space<hbm>> -> memref<640x128xf32, #tpu.memory_space<hbm>>
      %dma_wait3A_96 = arith.constant 0 : i32
      %dma_wait3A_97 = tpu.memref_slice %arg23[%mul3A_73, %dma_wait3A_96] : memref<10560x128xf32, #tpu.memory_space<vmem_shared>> -> memref<640x128xf32, #tpu.memory_space<vmem_shared>>
      tpu.wait_dma2 semaphore(%run_scoped3A_81 : memref<!tpu.dma_semaphore, #tpu.memory_space<semaphore_mem>>) src(%dma_wait3A_97 : memref<640x128xf32, #tpu.memory_space<vmem_shared>>) dst(%dma_wait3A_95 : memref<640x128xf32, #tpu.memory_space<hbm>>)
      tpu.yield
    }) : () -> ()
    %lt3A_76 = arith.constant 8 : i32
    %lt3A_77 = arith.cmpi slt, %arg1, %lt3A_76 : i32
    %convert_element_type3A_78 = arith.extui %lt3A_77 : i1 to i32
    %cond3A_79 = arith.constant 0 : i32
    %cond3A_80 = arith.cmpi ne, %convert_element_type3A_78, %cond3A_79 : i32
    scf.if %cond3A_80 {
      %mul3A_81 = arith.constant 40 : i32
      %mul3A_82 = arith.muli %arg1, %mul3A_81 : i32
      %add3A_83 = arith.constant 10240 : i32
      %add3A_84 = arith.addi %add3A_83, %mul3A_82 : i32
      %mul3A_85 = arith.constant 40 : i32
      %mul3A_86 = arith.muli %arg1, %mul3A_85 : i32
      "tpu.region"() ({
        %run_scoped3A_87 = tpu.sem_alloc : memref<!tpu.dma_semaphore, #tpu.memory_space<semaphore_mem>>
        %dma_start3A_88 = arith.constant 0 : i32
        %dma_start3A_89 = arith.constant 0 : i32
        %dma_start3A_90 = tpu.memref_slice %arg7[%arg0, %dma_start3A_88, %dma_start3A_89] : memref<2x320x128xf32, #tpu.memory_space<hbm>> -> memref<1x320x128xf32, #tpu.memory_space<hbm>>
        %dma_start3A_91 = tpu.memref_squeeze %dma_start3A_90 : memref<1x320x128xf32, #tpu.memory_space<hbm>> -> memref<320x128xf32, #tpu.memory_space<hbm>>
        %dma_start3A_92 = arith.constant 0 : i32
        %dma_start3A_93 = tpu.memref_slice %dma_start3A_91[%mul3A_86, %dma_start3A_92] : memref<320x128xf32, #tpu.memory_space<hbm>> -> memref<40x128xf32, #tpu.memory_space<hbm>>
        %dma_start3A_94 = arith.constant 0 : i32
        %dma_start3A_95 = tpu.memref_slice %arg23[%add3A_84, %dma_start3A_94] : memref<10560x128xf32, #tpu.memory_space<vmem_shared>> -> memref<40x128xf32, #tpu.memory_space<vmem_shared>>
        tpu.enqueue_dma source(%dma_start3A_95 : memref<40x128xf32, #tpu.memory_space<vmem_shared>>) target(%dma_start3A_93 : memref<40x128xf32, #tpu.memory_space<hbm>>) target_semaphore(%run_scoped3A_87 : memref<!tpu.dma_semaphore, #tpu.memory_space<semaphore_mem>>)
        %dma_wait3A_96 = arith.constant 0 : i32
        %dma_wait3A_97 = arith.constant 0 : i32
        %dma_wait3A_98 = tpu.memref_slice %arg7[%arg0, %dma_wait3A_96, %dma_wait3A_97] : memref<2x320x128xf32, #tpu.memory_space<hbm>> -> memref<1x320x128xf32, #tpu.memory_space<hbm>>
        %dma_wait3A_99 = tpu.memref_squeeze %dma_wait3A_98 : memref<1x320x128xf32, #tpu.memory_space<hbm>> -> memref<320x128xf32, #tpu.memory_space<hbm>>
        %dma_wait3A_100 = arith.constant 0 : i32
        %dma_wait3A_101 = tpu.memref_slice %dma_wait3A_99[%mul3A_86, %dma_wait3A_100] : memref<320x128xf32, #tpu.memory_space<hbm>> -> memref<40x128xf32, #tpu.memory_space<hbm>>
        %dma_wait3A_102 = arith.constant 0 : i32
        %dma_wait3A_103 = tpu.memref_slice %arg23[%add3A_84, %dma_wait3A_102] : memref<10560x128xf32, #tpu.memory_space<vmem_shared>> -> memref<40x128xf32, #tpu.memory_space<vmem_shared>>
        tpu.wait_dma2 semaphore(%run_scoped3A_87 : memref<!tpu.dma_semaphore, #tpu.memory_space<semaphore_mem>>) src(%dma_wait3A_103 : memref<40x128xf32, #tpu.memory_space<vmem_shared>>) dst(%dma_wait3A_101 : memref<40x128xf32, #tpu.memory_space<hbm>>)
        tpu.yield
      }) : () -> ()
    } else {
    }
    return
  }
}

module attributes {stable_mosaic.version = 14 : i64} {
  func.func @_prep_body(%arg0: memref<10000x128xf32, #tpu.memory_space<vmem>>, %arg1: memref<128x128xf32, #tpu.memory_space<vmem>>, %arg2: memref<1x128xf32, #tpu.memory_space<vmem>>, %arg3: memref<128x128xf32, #tpu.memory_space<vmem>>, %arg4: memref<1x128xf32, #tpu.memory_space<vmem>>, %arg5: memref<1x128xf32, #tpu.memory_space<vmem>>, %arg6: memref<128x4xf32, #tpu.memory_space<vmem>>, %arg7: memref<4x128xf32, #tpu.memory_space<vmem>>, %arg8: memref<20000x128xf32, #tpu.memory_space<vmem>>, %arg9: memref<10000x128xf32, #tpu.memory_space<vmem>>, %arg10: memref<10000x4xf32, #tpu.memory_space<vmem>>) attributes {dimension_semantics = [], scalar_prefetch = 0 : i64, scratch_operands = 0 : i64, tpu.core_type = #tpu.core_type<tc>} {
    %get3A = arith.constant 0 : index
    %get3A_0 = arith.constant 0 : index
    %get3A_1 = vector.load %arg0[%get3A, %get3A_0] : memref<10000x128xf32, #tpu.memory_space<vmem>>, vector<10000x128xf32>
    %get3A_2 = arith.constant 0 : index
    %get3A_3 = arith.constant 0 : index
    %get3A_4 = vector.load %arg1[%get3A_2, %get3A_3] : memref<128x128xf32, #tpu.memory_space<vmem>>, vector<128x128xf32>
    %dot_general3A = arith.constant dense<0.000000e+00> : vector<10000x128xf32>
    %dot_general3A_5 = tpu.matmul %get3A_1, %get3A_4, %dot_general3A {dimension_numbers = #tpu.dot_dimension_numbers<[1], [0], [0], [1], [0, 0, 1, 1], [], []>, transpose_lhs_hint = false} : vector<10000x128xf32>, vector<128x128xf32>, vector<10000x128xf32> -> vector<10000x128xf32>
    %get3A_6 = arith.constant 0 : index
    %get3A_7 = arith.constant 0 : index
    %get3A_8 = vector.load %arg2[%get3A_6, %get3A_7] : memref<1x128xf32, #tpu.memory_space<vmem>>, vector<1x128xf32>
    %add3A = vector.broadcast %get3A_8 : vector<1x128xf32> to vector<10000x128xf32>
    %add3A_9 = arith.addf %dot_general3A_5, %add3A : vector<10000x128xf32>
    %get3A_10 = arith.constant 0 : index
    %get3A_11 = arith.constant 0 : index
    %get3A_12 = vector.load %arg3[%get3A_10, %get3A_11] : memref<128x128xf32, #tpu.memory_space<vmem>>, vector<128x128xf32>
    %dot_general3A_13 = arith.constant dense<0.000000e+00> : vector<10000x128xf32>
    %dot_general3A_14 = tpu.matmul %get3A_1, %get3A_12, %dot_general3A_13 {dimension_numbers = #tpu.dot_dimension_numbers<[1], [0], [0], [1], [0, 0, 1, 1], [], []>, transpose_lhs_hint = false} : vector<10000x128xf32>, vector<128x128xf32>, vector<10000x128xf32> -> vector<10000x128xf32>
    %get3A_15 = arith.constant 0 : index
    %get3A_16 = arith.constant 0 : index
    %get3A_17 = vector.load %arg4[%get3A_15, %get3A_16] : memref<1x128xf32, #tpu.memory_space<vmem>>, vector<1x128xf32>
    %add3A_18 = vector.broadcast %get3A_17 : vector<1x128xf32> to vector<10000x128xf32>
    %add3A_19 = arith.addf %dot_general3A_14, %add3A_18 : vector<10000x128xf32>
    %swap3A = arith.constant 0 : index
    %swap3A_20 = arith.constant 0 : index
    %swap3A_21 = vector.load %arg8[%swap3A, %swap3A_20] : memref<20000x128xf32, #tpu.memory_space<vmem>>, vector<10000x128xf32>
    tpu.vector_store %arg8[%swap3A, %swap3A_20], %add3A_9 {strides = array<i32>} : memref<20000x128xf32, #tpu.memory_space<vmem>>, vector<10000x128xf32>,
    %swap3A_22 = arith.constant 10000 : index
    %swap3A_23 = arith.constant 0 : index
    %swap3A_24 = vector.load %arg8[%swap3A_22, %swap3A_23] : memref<20000x128xf32, #tpu.memory_space<vmem>>, vector<10000x128xf32>
    tpu.vector_store %arg8[%swap3A_22, %swap3A_23], %add3A_19 {strides = array<i32>} : memref<20000x128xf32, #tpu.memory_space<vmem>>, vector<10000x128xf32>,
    %add3A_25 = arith.addf %add3A_9, %add3A_19 : vector<10000x128xf32>
    %gt3A = arith.constant 0.000000e+00 : f32
    %gt3A_26 = vector.broadcast %gt3A : f32 to vector<10000x128xf32>
    %gt3A_27 = arith.cmpf ogt, %add3A_25, %gt3A_26 : vector<10000x128xf32>
    %mul3A = arith.constant 2.000000e-01 : f32
    %mul3A_28 = vector.broadcast %mul3A : f32 to vector<10000x128xf32>
    %mul3A_29 = arith.mulf %mul3A_28, %add3A_25 : vector<10000x128xf32>
    %select_n3A = arith.select %gt3A_27, %add3A_25, %mul3A_29 : vector<10000x128xi1>, vector<10000x128xf32>
    %get3A_30 = arith.constant 0 : index
    %get3A_31 = arith.constant 0 : index
    %get3A_32 = vector.load %arg5[%get3A_30, %get3A_31] : memref<1x128xf32, #tpu.memory_space<vmem>>, vector<1x128xf32>
    %mul3A_33 = vector.broadcast %get3A_32 : vector<1x128xf32> to vector<10000x128xf32>
    %mul3A_34 = arith.mulf %select_n3A, %mul3A_33 : vector<10000x128xf32>
    %get3A_35 = arith.constant 0 : index
    %get3A_36 = arith.constant 0 : index
    %get3A_37 = vector.load %arg6[%get3A_35, %get3A_36] : memref<128x4xf32, #tpu.memory_space<vmem>>, vector<128x4xf32>
    %dot_general3A_38 = arith.constant dense<0.000000e+00> : vector<10000x4xf32>
    %dot_general3A_39 = tpu.matmul %mul3A_34, %get3A_37, %dot_general3A_38 {dimension_numbers = #tpu.dot_dimension_numbers<[1], [0], [0], [1], [0, 0, 1, 1], [], []>, transpose_lhs_hint = false} : vector<10000x128xf32>, vector<128x4xf32>, vector<10000x4xf32> -> vector<10000x4xf32>
    %exp3A = math.exp %dot_general3A_39 : vector<10000x4xf32>
    %get3A_40 = arith.constant 0 : index
    %get3A_41 = arith.constant 0 : index
    %get3A_42 = vector.load %arg7[%get3A_40, %get3A_41] : memref<4x128xf32, #tpu.memory_space<vmem>>, vector<4x128xf32>
    %dot_general3A_43 = arith.constant dense<0.000000e+00> : vector<10000x128xf32>
    %dot_general3A_44 = tpu.matmul %exp3A, %get3A_42, %dot_general3A_43 {dimension_numbers = #tpu.dot_dimension_numbers<[1], [0], [0], [1], [0, 0, 1, 1], [], []>, transpose_lhs_hint = false} : vector<10000x4xf32>, vector<4x128xf32>, vector<10000x128xf32> -> vector<10000x128xf32>
    %mul3A_45 = arith.mulf %add3A_9, %dot_general3A_44 : vector<10000x128xf32>
    %swap3A_46 = arith.constant 0 : index
    %swap3A_47 = arith.constant 0 : index
    %swap3A_48 = vector.load %arg9[%swap3A_46, %swap3A_47] : memref<10000x128xf32, #tpu.memory_space<vmem>>, vector<10000x128xf32>
    tpu.vector_store %arg9[%swap3A_46, %swap3A_47], %mul3A_45 {strides = array<i32>} : memref<10000x128xf32, #tpu.memory_space<vmem>>, vector<10000x128xf32>,
    %swap3A_49 = arith.constant 0 : index
    %swap3A_50 = arith.constant 0 : index
    %swap3A_51 = vector.load %arg10[%swap3A_49, %swap3A_50] : memref<10000x4xf32, #tpu.memory_space<vmem>>, vector<10000x4xf32>
    tpu.vector_store %arg10[%swap3A_49, %swap3A_50], %exp3A {strides = array<i32>} : memref<10000x4xf32, #tpu.memory_space<vmem>>, vector<10000x4xf32>,
    return
  }
}

module attributes {stable_mosaic.version = 14 : i64} {
  func.func @_fin_body(%arg0: memref<10240x128xf32, #tpu.memory_space<vmem>>, %arg1: memref<10240x128xf32, #tpu.memory_space<vmem>>, %arg2: memref<10240x4xf32, #tpu.memory_space<vmem>>, %arg3: memref<10240x4xf32, #tpu.memory_space<vmem>>, %arg4: memref<10000x128xf32, #tpu.memory_space<vmem>>, %arg5: memref<10000x4xf32, #tpu.memory_space<vmem>>, %arg6: memref<10000x128xf32, #tpu.memory_space<vmem>>, %arg7: memref<1x128xf32, #tpu.memory_space<vmem>>, %arg8: memref<4x128xf32, #tpu.memory_space<vmem>>, %arg9: memref<128x128xf32, #tpu.memory_space<vmem>>, %arg10: memref<1x128xf32, #tpu.memory_space<vmem>>, %arg11: memref<128x128xf32, #tpu.memory_space<vmem>>, %arg12: memref<1x128xf32, #tpu.memory_space<vmem>>, %arg13: memref<1x128xf32, #tpu.memory_space<vmem>>, %arg14: memref<1x128xf32, #tpu.memory_space<vmem>>, %arg15: memref<1x128xf32, #tpu.memory_space<vmem>>, %arg16: memref<1x128xf32, #tpu.memory_space<vmem>>, %arg17: memref<10000x128xf32, #tpu.memory_space<vmem>>) attributes {dimension_semantics = [], scalar_prefetch = 0 : i64, scratch_operands = 0 : i64, tpu.core_type = #tpu.core_type<tc>} {
    %get3A = arith.constant 0 : index
    %get3A_0 = arith.constant 0 : index
    %get3A_1 = vector.load %arg0[%get3A, %get3A_0] : memref<10240x128xf32, #tpu.memory_space<vmem>>, vector<10000x128xf32>
    %get3A_2 = arith.constant 0 : index
    %get3A_3 = arith.constant 0 : index
    %get3A_4 = vector.load %arg1[%get3A_2, %get3A_3] : memref<10240x128xf32, #tpu.memory_space<vmem>>, vector<10000x128xf32>
    %add3A = arith.addf %get3A_1, %get3A_4 : vector<10000x128xf32>
    %get3A_5 = arith.constant 0 : index
    %get3A_6 = arith.constant 0 : index
    %get3A_7 = vector.load %arg4[%get3A_5, %get3A_6] : memref<10000x128xf32, #tpu.memory_space<vmem>>, vector<10000x128xf32>
    %add3A_8 = arith.addf %add3A, %get3A_7 : vector<10000x128xf32>
    %get3A_9 = arith.constant 0 : index
    %get3A_10 = arith.constant 0 : index
    %get3A_11 = vector.load %arg2[%get3A_9, %get3A_10] : memref<10240x4xf32, #tpu.memory_space<vmem>>, vector<10000x4xf32>
    %get3A_12 = arith.constant 0 : index
    %get3A_13 = arith.constant 0 : index
    %get3A_14 = vector.load %arg3[%get3A_12, %get3A_13] : memref<10240x4xf32, #tpu.memory_space<vmem>>, vector<10000x4xf32>
    %add3A_15 = arith.addf %get3A_11, %get3A_14 : vector<10000x4xf32>
    %get3A_16 = arith.constant 0 : index
    %get3A_17 = arith.constant 0 : index
    %get3A_18 = vector.load %arg5[%get3A_16, %get3A_17] : memref<10000x4xf32, #tpu.memory_space<vmem>>, vector<10000x4xf32>
    %add3A_19 = arith.addf %add3A_15, %get3A_18 : vector<10000x4xf32>
    %get3A_20 = arith.constant 0 : index
    %get3A_21 = arith.constant 0 : index
    %get3A_22 = vector.load %arg8[%get3A_20, %get3A_21] : memref<4x128xf32, #tpu.memory_space<vmem>>, vector<4x128xf32>
    %dot_general3A = arith.constant dense<0.000000e+00> : vector<10000x128xf32>
    %dot_general3A_23 = tpu.matmul %add3A_19, %get3A_22, %dot_general3A {dimension_numbers = #tpu.dot_dimension_numbers<[1], [0], [0], [1], [0, 0, 1, 1], [], []>, transpose_lhs_hint = false} : vector<10000x4xf32>, vector<4x128xf32>, vector<10000x128xf32> -> vector<10000x128xf32>
    %div3A = arith.divf %add3A_8, %dot_general3A_23 : vector<10000x128xf32>
    %get3A_24 = arith.constant 0 : index
    %get3A_25 = arith.constant 0 : index
    %get3A_26 = vector.load %arg7[%get3A_24, %get3A_25] : memref<1x128xf32, #tpu.memory_space<vmem>>, vector<1x128xf32>
    %add3A_27 = vector.broadcast %get3A_26 : vector<1x128xf32> to vector<10000x128xf32>
    %add3A_28 = arith.addf %div3A, %add3A_27 : vector<10000x128xf32>
    %get3A_29 = arith.constant 0 : index
    %get3A_30 = arith.constant 0 : index
    %get3A_31 = vector.load %arg6[%get3A_29, %get3A_30] : memref<10000x128xf32, #tpu.memory_space<vmem>>, vector<10000x128xf32>
    %add3A_32 = arith.addf %add3A_28, %get3A_31 : vector<10000x128xf32>
    %reduce_sum3A = arith.constant dense<0.000000e+00> : vector<128xf32>
    %reduce_sum3A_33 = vector.multi_reduction <add>, %add3A_32, %reduce_sum3A [0] : vector<10000x128xf32> to vector<128xf32>
    %broadcast_in_dim3A = vector.shape_cast %reduce_sum3A_33 : vector<128xf32> to vector<1x128xf32>
    %div3A_34 = arith.constant 1.000000e+04 : f32
    %div3A_35 = vector.broadcast %div3A_34 : f32 to vector<1x128xf32>
    %div3A_36 = arith.divf %broadcast_in_dim3A, %div3A_35 : vector<1x128xf32>
    %sub3A = vector.broadcast %div3A_36 : vector<1x128xf32> to vector<10000x128xf32>
    %sub3A_37 = arith.subf %add3A_32, %sub3A : vector<10000x128xf32>
    %mul3A = arith.mulf %sub3A_37, %sub3A_37 : vector<10000x128xf32>
    %reduce_sum3A_38 = arith.constant dense<0.000000e+00> : vector<128xf32>
    %reduce_sum3A_39 = vector.multi_reduction <add>, %mul3A, %reduce_sum3A_38 [0] : vector<10000x128xf32> to vector<128xf32>
    %broadcast_in_dim3A_40 = vector.shape_cast %reduce_sum3A_39 : vector<128xf32> to vector<1x128xf32>
    %div3A_41 = arith.constant 1.000000e+04 : f32
    %div3A_42 = vector.broadcast %div3A_41 : f32 to vector<1x128xf32>
    %div3A_43 = arith.divf %broadcast_in_dim3A_40, %div3A_42 : vector<1x128xf32>
    %get3A_44 = arith.constant 0 : index
    %get3A_45 = arith.constant 0 : index
    %get3A_46 = vector.load %arg13[%get3A_44, %get3A_45] : memref<1x128xf32, #tpu.memory_space<vmem>>, vector<1x128xf32>
    %mul3A_47 = vector.broadcast %get3A_46 : vector<1x128xf32> to vector<10000x128xf32>
    %mul3A_48 = arith.mulf %mul3A_47, %sub3A_37 : vector<10000x128xf32>
    %add3A_49 = arith.constant 9.99999974E-6 : f32
    %add3A_50 = vector.broadcast %add3A_49 : f32 to vector<1x128xf32>
    %add3A_51 = arith.addf %div3A_43, %add3A_50 : vector<1x128xf32>
    %rsqrt3A = math.rsqrt %add3A_51 : vector<1x128xf32>
    %mul3A_52 = vector.broadcast %rsqrt3A : vector<1x128xf32> to vector<10000x128xf32>
    %mul3A_53 = arith.mulf %mul3A_48, %mul3A_52 : vector<10000x128xf32>
    %get3A_54 = arith.constant 0 : index
    %get3A_55 = arith.constant 0 : index
    %get3A_56 = vector.load %arg14[%get3A_54, %get3A_55] : memref<1x128xf32, #tpu.memory_space<vmem>>, vector<1x128xf32>
    %add3A_57 = vector.broadcast %get3A_56 : vector<1x128xf32> to vector<10000x128xf32>
    %add3A_58 = arith.addf %mul3A_53, %add3A_57 : vector<10000x128xf32>
    %get3A_59 = arith.constant 0 : index
    %get3A_60 = arith.constant 0 : index
    %get3A_61 = vector.load %arg9[%get3A_59, %get3A_60] : memref<128x128xf32, #tpu.memory_space<vmem>>, vector<128x128xf32>
    %dot_general3A_62 = arith.constant dense<0.000000e+00> : vector<10000x128xf32>
    %dot_general3A_63 = tpu.matmul %add3A_58, %get3A_61, %dot_general3A_62 {dimension_numbers = #tpu.dot_dimension_numbers<[1], [0], [0], [1], [0, 0, 1, 1], [], []>, transpose_lhs_hint = false} : vector<10000x128xf32>, vector<128x128xf32>, vector<10000x128xf32> -> vector<10000x128xf32>
    %get3A_64 = arith.constant 0 : index
    %get3A_65 = arith.constant 0 : index
    %get3A_66 = vector.load %arg10[%get3A_64, %get3A_65] : memref<1x128xf32, #tpu.memory_space<vmem>>, vector<1x128xf32>
    %add3A_67 = vector.broadcast %get3A_66 : vector<1x128xf32> to vector<10000x128xf32>
    %add3A_68 = arith.addf %dot_general3A_63, %add3A_67 : vector<10000x128xf32>
    %max3A = arith.constant 0.000000e+00 : f32
    %max3A_69 = vector.broadcast %max3A : f32 to vector<10000x128xf32>
    %max3A_70 = arith.maximumf %add3A_68, %max3A_69 : vector<10000x128xf32>
    %get3A_71 = arith.constant 0 : index
    %get3A_72 = arith.constant 0 : index
    %get3A_73 = vector.load %arg11[%get3A_71, %get3A_72] : memref<128x128xf32, #tpu.memory_space<vmem>>, vector<128x128xf32>
    %dot_general3A_74 = arith.constant dense<0.000000e+00> : vector<10000x128xf32>
    %dot_general3A_75 = tpu.matmul %max3A_70, %get3A_73, %dot_general3A_74 {dimension_numbers = #tpu.dot_dimension_numbers<[1], [0], [0], [1], [0, 0, 1, 1], [], []>, transpose_lhs_hint = false} : vector<10000x128xf32>, vector<128x128xf32>, vector<10000x128xf32> -> vector<10000x128xf32>
    %get3A_76 = arith.constant 0 : index
    %get3A_77 = arith.constant 0 : index
    %get3A_78 = vector.load %arg12[%get3A_76, %get3A_77] : memref<1x128xf32, #tpu.memory_space<vmem>>, vector<1x128xf32>
    %add3A_79 = vector.broadcast %get3A_78 : vector<1x128xf32> to vector<10000x128xf32>
    %add3A_80 = arith.addf %dot_general3A_75, %add3A_79 : vector<10000x128xf32>
    %add3A_81 = arith.addf %add3A_80, %add3A_58 : vector<10000x128xf32>
    %reduce_sum3A_82 = arith.constant dense<0.000000e+00> : vector<128xf32>
    %reduce_sum3A_83 = vector.multi_reduction <add>, %add3A_81, %reduce_sum3A_82 [0] : vector<10000x128xf32> to vector<128xf32>
    %broadcast_in_dim3A_84 = vector.shape_cast %reduce_sum3A_83 : vector<128xf32> to vector<1x128xf32>
    %div3A_85 = arith.constant 1.000000e+04 : f32
    %div3A_86 = vector.broadcast %div3A_85 : f32 to vector<1x128xf32>
    %div3A_87 = arith.divf %broadcast_in_dim3A_84, %div3A_86 : vector<1x128xf32>
    %sub3A_88 = vector.broadcast %div3A_87 : vector<1x128xf32> to vector<10000x128xf32>
    %sub3A_89 = arith.subf %add3A_81, %sub3A_88 : vector<10000x128xf32>
    %mul3A_90 = arith.mulf %sub3A_89, %sub3A_89 : vector<10000x128xf32>
    %reduce_sum3A_91 = arith.constant dense<0.000000e+00> : vector<128xf32>
    %reduce_sum3A_92 = vector.multi_reduction <add>, %mul3A_90, %reduce_sum3A_91 [0] : vector<10000x128xf32> to vector<128xf32>
    %broadcast_in_dim3A_93 = vector.shape_cast %reduce_sum3A_92 : vector<128xf32> to vector<1x128xf32>
    %div3A_94 = arith.constant 1.000000e+04 : f32
    %div3A_95 = vector.broadcast %div3A_94 : f32 to vector<1x128xf32>
    %div3A_96 = arith.divf %broadcast_in_dim3A_93, %div3A_95 : vector<1x128xf32>
    %get3A_97 = arith.constant 0 : index
    %get3A_98 = arith.constant 0 : index
    %get3A_99 = vector.load %arg15[%get3A_97, %get3A_98] : memref<1x128xf32, #tpu.memory_space<vmem>>, vector<1x128xf32>
    %mul3A_100 = vector.broadcast %get3A_99 : vector<1x128xf32> to vector<10000x128xf32>
    %mul3A_101 = arith.mulf %mul3A_100, %sub3A_89 : vector<10000x128xf32>
    %add3A_102 = arith.constant 9.99999974E-6 : f32
    %add3A_103 = vector.broadcast %add3A_102 : f32 to vector<1x128xf32>
    %add3A_104 = arith.addf %div3A_96, %add3A_103 : vector<1x128xf32>
    %rsqrt3A_105 = math.rsqrt %add3A_104 : vector<1x128xf32>
    %mul3A_106 = vector.broadcast %rsqrt3A_105 : vector<1x128xf32> to vector<10000x128xf32>
    %mul3A_107 = arith.mulf %mul3A_101, %mul3A_106 : vector<10000x128xf32>
    %get3A_108 = arith.constant 0 : index
    %get3A_109 = arith.constant 0 : index
    %get3A_110 = vector.load %arg16[%get3A_108, %get3A_109] : memref<1x128xf32, #tpu.memory_space<vmem>>, vector<1x128xf32>
    %add3A_111 = vector.broadcast %get3A_110 : vector<1x128xf32> to vector<10000x128xf32>
    %add3A_112 = arith.addf %mul3A_107, %add3A_111 : vector<10000x128xf32>
    %swap3A = arith.constant 0 : index
    %swap3A_113 = arith.constant 0 : index
    %swap3A_114 = vector.load %arg17[%swap3A, %swap3A_113] : memref<10000x128xf32, #tpu.memory_space<vmem>>, vector<10000x128xf32>
    tpu.vector_store %arg17[%swap3A, %swap3A_113], %add3A_112 {strides = array<i32>} : memref<10000x128xf32, #tpu.memory_space<vmem>>, vector<10000x128xf32>,
    return
  }
}

</mosaic_0001>

<sc_bundles>
// kernel: kernel.5.cloned.1.call-start
scs
__scs_entry_jumppad:
0x0: {  	(pc) =	sbr.rel $0x88, $3  }
0x1: {  	(tag) =	ssettag $0x0;
	lr =	simm.s32 $0x1  }
0x2: {  	[smem:$0x3F91] =	sst lr;
	_ =	strace $0xD0000000  }
0x3: {  	_ = 	snop  }
0x4: {  	_ = 	snop  }
0x5: {  	_ = 	snop  }
0x6: {  	_ = 	snop  }
0x7: {  	_ = 	snop  }
__scs_overlays_trampoline_lowered:
0x8: {  	[smem:$0x3FA0] =	sst s0  }
0x9: {  	[smem:$0x3FA1] =	sst s1  }
0xa: {  	[smem:$0x3FA2] =	sst s2  }
0xb: {  	[smem:$0x3FA3] =	sst s3  }
0xc: {  	[smem:$0x3FA4] =	sst s4  }
0xd: {  	[smem:$0x3FA5] =	sst s5  }
0xe: {  	[smem:$0x3FA6] =	sst s6  }
0xf: {  	[smem:$0x3FA7] =	sst s7  }
0x10: {  	[smem:$0x3FA8] =	sst s8  }
0x11: {  	[smem:$0x3FA9] =	sst s9;
	s0 =	simm.s32 @!p0 $0x0  }
0x12: {  	s1 =	sld [smem:$0x3F8F];
	s0 =	simm.s32 @p0 $0x1  }
0x13: {  	[smem:$0x3FAA] =	sst s0;
	s0 =	simm.s32 @!p1 $0x0  }
0x14: {  	s2 =	sld [smem:$0x3F8E];
	s0 =	simm.s32 @p1 $0x1  }
0x15: {  	[smem:$0x3FAB] =	sst s0;
	s0 =	simm.s32 @!p2 $0x0  }
0x16: {  	s3 =	sld [smem:$0x3FDB];
	s0 =	simm.s32 @p2 $0x1  }
0x17: {  	s4 =	simm.s32 $0x1BF5;
	[smem:$0x3FAD] =	sst s0  }
0x18: {  	s0 =	sld [smem:$0x3F90];
	_ =	swait.ge [sflag:s4], $0x0  }
0x19: {  	s7 =	sld [smem:$0x3F91]  }
0x1a: {  	s8 =	sadd.s32 $0xFFFFE003, lr  }
0x1b: {  	s9 =	sadd.s32 $0xFFFFFEF7, lr;
	s5 =	simm.s32 $0xFFFFFFFF;
	p2 =	slt.u32 s8, $0xFFFFF086  }
0x1c: {  	p1 =	slt.u32 s9, $0xF7A;
	s5 =	simm.s32 @!p2 $0x0  }
0x1d: {  	s5 =	simm.s32 @p1 $0x1;
	p0 =	seq.s32 s7, s2  }
0x1e: {  	s7 =	smul.u32 @!p0 $0xF7A, s2;
	p2 =	seq.s32 @!p0 s5, $0x0  }
0x1f: {  	s9 =	smul.u32 $0xF7A, s1;
	s8 =	simm.s32 @!p0 $0x1BF5;
	p2 =	por !p2, p0  }
0x20: {  	[sflag:s8] =	ssyncset.s32 @!p0 $0xFFFFF086;
	s6 =	sadd.s32 @!p0 s3, s7;
	s7 =	simm.s32 @!p0 $0x108  }
0x21: {  	s3 =	sadd.s32 s3, s9;
	s6 =	sadd.s32 @!p0 $0x88, s6;
	s7 =	simm.s32 @p2 $0x1082  }
0x22: {  	[simem:s7], [sflag:s8] =	dma.local @!p0 [hbm:s6], $0xF7A  }
0x23: {  	s9 =	sor.u32 $0xD0000000, s2;
	s6 =	simm.s32 $0x108;
	_ =	swait.ge @!p0 [sflag:s8], $0x0  }
0x24: {  	s3 =	sadd.s32 $0x88, s3;
	s6 =	simm.s32 @!p1 $0x1082;
	[sflag:s4] =	ssyncset.s32 $0xFFFFF086  }
0x25: {  	[simem:s6], [sflag:s4] =	dma.local [hbm:s3], $0xF7A  }
0x26: {  	[smem:$0x3F91] =	sst s1;
	(tag) =	ssettag s2;
	_ =	strace s9  }
0x27: {  	s1 =	sld [smem:$0x3FA1]  }
0x28: {  	s2 =	sld [smem:$0x3FA2]  }
0x29: {  	s4 =	sld [smem:$0x3FA4]  }
0x2a: {  	p0 =	seq.s32 s5, $0x0;
	s5 =	sld [smem:$0x3FA5]  }
0x2b: {  	s6 =	sld [smem:$0x3FA6]  }
0x2c: {  	s7 =	sld [smem:$0x3FA7]  }
0x2d: {  	s3 =	simm.s32 $0x108;
	s8 =	sld [smem:$0x3FA8]  }
0x2e: {  	s3 =	simm.s32 @!p0 $0x1082;
	s9 =	sld [smem:$0x3FA9]  }
0x2f: {  	lr =	sadd.s32 s0, s3;
	s0 =	sld [smem:$0x3FA0]  }
0x30: {  	s3 =	sld [smem:$0x3FA3]  }
0x31: {  	[smem:$0x3FAC] =	sst s10  }
0x32: {  	s10 =	sld [smem:$0x3FAA];
	_ =	sdelay $0x3  }
0x33: {  	p0 =	seq.s32 s10, $0x1;
	s10 =	sld [smem:$0x3FAC];
	_ =	sdelay $0x3  }
0x34: {  	[smem:$0x3FAC] =	sst s10  }
0x35: {  	s10 =	sld [smem:$0x3FAB];
	_ =	sdelay $0x3  }
0x36: {  	p1 =	seq.s32 s10, $0x1;
	s10 =	sld [smem:$0x3FAC];
	_ =	sdelay $0x3  }
0x37: {  	[smem:$0x3FAC] =	sst s10  }
0x38: {  	s10 =	sld [smem:$0x3FAD]  }
0x39: {  	_ = 	snop;
	(pc) =	sbr.ind lr, $3  }
0x3a: {  	_ = 	snop  }
0x3b: {  	_ = 	snop  }
0x3c: {  	p2 =	seq.s32 s10, $0x1;
	s10 =	sld [smem:$0x3FAC]  }
0x3d: {  	_ =	shalt  }
0x3e: {  	_ =	shalt  }
0x3f: {  	_ =	shalt  }
0x40: {  	_ =	shalt  }
0x41: {  	_ =	shalt  }
0x42: {  	_ =	shalt  }
0x43: {  	_ =	shalt  }
0x44: {  	_ =	shalt  }
0x45: {  	_ =	shalt  }
0x46: {  	_ =	shalt  }
0x47: {  	_ =	shalt  }
0x48: {  	_ =	shalt  }
0x49: {  	_ =	shalt  }
0x4a: {  	_ =	shalt  }
0x4b: {  	_ =	shalt  }
0x4c: {  	_ =	shalt  }
0x4d: {  	_ =	shalt  }
0x4e: {  	_ =	shalt  }
0x4f: {  	_ =	shalt  }
0x50: {  	_ =	shalt  }
0x51: {  	_ =	shalt  }
0x52: {  	_ =	shalt  }
0x53: {  	_ =	shalt  }
0x54: {  	_ =	shalt  }
0x55: {  	_ =	shalt  }
0x56: {  	_ =	shalt  }
0x57: {  	_ =	shalt  }
0x58: {  	_ =	shalt  }
0x59: {  	_ =	shalt  }
0x5a: {  	_ =	shalt  }
0x5b: {  	_ =	shalt  }
0x5c: {  	_ =	shalt  }
0x5d: {  	_ =	shalt  }
0x5e: {  	_ =	shalt  }
0x5f: {  	_ =	shalt  }
0x60: {  	_ =	shalt  }
0x61: {  	_ =	shalt  }
0x62: {  	_ =	shalt  }
0x63: {  	_ =	shalt  }
0x64: {  	_ =	shalt  }
0x65: {  	_ =	shalt  }
0x66: {  	_ =	shalt  }
0x67: {  	_ =	shalt  }
0x68: {  	_ =	shalt  }
0x69: {  	_ =	shalt  }
0x6a: {  	_ =	shalt  }
0x6b: {  	_ =	shalt  }
0x6c: {  	_ =	shalt  }
0x6d: {  	_ =	shalt  }
0x6e: {  	_ =	shalt  }
0x6f: {  	_ =	shalt  }
0x70: {  	_ =	shalt  }
0x71: {  	_ =	shalt  }
0x72: {  	_ =	shalt  }
0x73: {  	_ =	shalt  }
0x74: {  	_ =	shalt  }
0x75: {  	_ =	shalt  }
0x76: {  	_ =	shalt  }
0x77: {  	_ =	shalt  }
0x78: {  	_ =	shalt  }
0x79: {  	_ =	shalt  }
0x7a: {  	_ =	shalt  }
0x7b: {  	_ =	shalt  }
0x7c: {  	_ =	shalt  }
0x7d: {  	_ =	shalt  }
0x7e: {  	_ =	shalt  }
0x7f: {  	_ =	shalt  }
0x80: {  	_ =	shalt  }
0x81: {  	_ =	shalt  }
0x82: {  	_ =	shalt  }
0x83: {  	_ =	shalt  }
0x84: {  	_ =	shalt  }
0x85: {  	_ =	shalt  }
0x86: {  	_ =	shalt  }
0x87: {  	_ =	shalt  }
.Lfunc_end0:
.L_simem_size_0:
called_computation_lowered:
.L_overlay_start_0:
0x88: {  	s2 =	sld [smem:$0x3FD9]  }
0x89: {  	s3 =	sld [smem:$0x3FFE];
	_ =	sdelay $0x1  }
0x8a: {  	s1 =	srdreg.scid  }
0x8b: {  	s0 =	sand.u32 $0x1, s1  }
0x8c: {  	s17 =	sshll.u32 s0, $0xA;
	s2 =	sadd.s32 s3, s2  }
0x8d: {  	s2 =	sadd.s32 s2, s17  }
0x8e: {  	[smem:$0x3FB8] =	sst s2  }
0x8f: {  	_ = 	snop  }
0x90: {  	s2 =	sld [smem:$0x3FD0];
	(tm) =	ssettm $0x1  }
0x91: {  	s18 =	sld [smem:$0x3FFB];
	_ =	sdelay $0x3  }
0x92: {  	_ =	strace s18  }
0x93: {  	s3 =	sld [smem:$0x3FFC];
	_ =	sdelay $0x3  }
0x94: {  	_ =	strace s3  }
0x95: {  	s3 =	sld [smem:$0x3FFD];
	_ =	sdelay $0x3  }
0x96: {  	_ =	strace s3  }
0x97: {  	_ =	strace $0x8FFFFFFF  }
0x98: {  	s19 =	sld [smem:$0x3FDB];
	_ =	sdelay $0x1  }
0x99: {  	s4 =	simm.s32 $_scs_section_size  }
0x9a: {  	s5 =	simm.s32 $_size__tile_overlayer_lowered;
	s6 =	simm.s32 $_tile_overlayer_lowered  }
0x9b: {  	s22 =	simm.s32 $0x1BFF;
	s21 =	sshll.u32 s6, $0x1;
	s3 =	sadd.s32 s4, s19  }
0x9c: {  	s7 =	simm.s32 $0x0;
	s20 =	sshll.u32 s5, $0x1;
	s5 =	sadd.s32 s21, s3  }
0x9d: {  	[timem:s7], [sflag:s22] =	dma.local [hbm:s5], s20  }
0x9e: {  	_ =	swait.ge [sflag:s22], s20  }
0x9f: {  	s4 =	ssub.s32 $0x0, s20;
	[sflag:s22] =	ssyncset.done $0x0  }
0xa0: {  	[sflag:s22] =	ssyncadd.s32 s4;
	_ =	sdelay $0x1  }
0xa1: {  	s23 =	simm.s32 $0x1B8B  }
0xa2: {  	_ =	swait.ge [sflag:s23], $0x1  }
0xa3: {  	[sflag:s23] =	ssyncset.done $0x0  }
0xa4: {  	s25 =	simm.s32 $0x1B8E;
	s24 =	sld [smem:$0x3FFE];
	[sflag:s23] =	ssyncadd.s32 $0xFFFFFFFF  }
0xa5: {  	s26 =	simm.s32 $execute0_lowered;
	[smem:$0x3FD2] =	sst s25  }
0xa6: {  	s5 =	sshll.u32 s26, $0x1;
	_ =	strace $0x80000046;
	[dreg:$0x1] =	wrdreg $0xFFFFFFFF  }
0xa7: {  	s28 =	simm.s32 $_size_execute0_lowered;
	s3 =	sadd.s32 s3, s5;
	[dreg:$0x0] =	wrdreg $0x0  }
0xa8: {  	s5 =	sshll.u32 s28, $0x1;
	[dreg:$0x2] =	wrdreg s3  }
0xa9: {  	[dreg:$0x3] =	wrdreg s5  }
0xaa: {  	[dreg:$0x4] =	wrdreg $0xC0  }
0xab: {  	_ =	task [dreg:s7], $0x5FFFF  }
0xac: {  	[dreg:$0x1] =	wrdreg $0xFFFFFFFF  }
0xad: {  	[dreg:$0x0] =	wrdreg $0x60  }
0xae: {  	[dreg:$0x2] =	wrdreg s24  }
0xaf: {  	[dreg:$0x3] =	wrdreg s2  }
0xb0: {  	[dreg:$0x4] =	wrdreg $0xA2800  }
0xb1: {  	[dreg:$0x5] =	wrdreg $0x9  }
0xb2: {  	_ =	task.clear_ibuf [dreg:s7], $0x6FFFF;
	_ =	strace $0x90000046  }
0xb3: {  	s29 =	simm.s32 $0x9;
	_ =	strace $0x80000048  }
0xb4: {  	_ =	swait.ge [sflag:s29], $0x1  }
0xb5: {  	[sflag:s29] =	ssyncadd.s32 $0xFFFFFFFF  }
0xb6: {  	_ =	strace $0x90000048  }
0xb7: {  	_ =	sfence  }
0xb8: {  	s30 =	sld [smem:$0x0];
	_ =	sdelay $0x2  }
0xb9: {  	s31 =	sshll.u32 s1, $0xD;
	s1 =	sshrl.u32 s1, $0x2  }
0xba: {  	s3 =	sand.u32 $0x4000, s31;
	s1 =	sadd.s32 s1, s30  }
0xbb: {  	s0 =	sor.u32 s3, s0;
	s1 =	sshll.u32 s1, $0x11  }
0xbc: {  	s0 =	sor.u32 s1, s0  }
0xbd: {  	s0 =	sadd.s32 $0x8F2B, s0  }
0xbe: {  	[sflag:s0] =	ssyncadd.remote.s32 $0x1  }
0xbf: {  	_ =	sfence.sel $0xFFFF  }
0xc0: {  	[dreg:$0x0] =	wrdreg $0xFFFFFFFF;
	(pc) =	sbr.abs _section_cstart, $3  }
0xc1: {  	[dreg:$0x1] =	wrdreg $0xFFFFFFFF  }
0xc2: {  	_ =	task.clear_ibuf [dreg:s7], $0x2FFFF;
	_ =	strace $0x9FFFFFFF  }
0xc3: {  	(tm) =	ssettm $0x7FFFFFFF  }
tec
execute0_lowered:
.L_overlay_start_1:
0x0: {  	(tag) =	ssettag $0x1  }
0x1: {  	s0 =	rddreg [dreg:$0x0]  }
0x2: {  	s3 =	rddreg [dreg:$0x1]  }
0x3: {  	s1 =	rddreg [dreg:$0x2]  }
0x4: {  	s2 =	simm.s32 $0x0;
	s4 =	srdreg.scid;
	s15 =	stileid.u32  }
0x5: {  	s16 =	simm.s32 $0x50;
	s28 =	simm.s32 $0x2900;
	s29 =	simm.s32 $0x3  }
0x6: {  	s30 =	simm.s32 $0xA100;
	s31 =	simm.s32 $0x5100;
	s9 =	smul.u32 $0x50000, s15  }
0x7: {  	[smem:$0x7FF] =	sst s2;
	s5 =	sand.u32 $0x1, s4;
	s11 =	smul.u32 $0x5000, s15  }
0x8: {  	s4 =	sadd.s32 $0x2C00, s0;
	s6 =	sadd.s32 $0x2A00, s0;
	s24 =	smul.u32 $0x2800, s15  }
0x9: {  	s21 =	sshll.u32 s15, $0x6;
	s23 =	sshll.u32 s15, $0xD;
	s14 =	smul.u32 $0x280, s15  }
0xa: {  	p0 =	sgt.u32 s15, $0x7;
	s15 =	simm.s32 $0x80;
	s7 =	smul.u32 $0x28000, s5  }
0xb: {  	_ =	strace $0x80000047;
	s8 =	smul.u32 $0x1400, s5;
	[dreg:$0x4] =	wrdreg s6  }
0xc: {  	s6 =	sadd.s32 $0x50E00, s0;
	s19 =	ssub.s32 $0x2, s5;
	s5 =	sshll.u32 s5, $0xC  }
0xd: {  	s20 =	sshrl.u32 s19, $0x1;
	s9 =	sshrl.u32 s9, $0x2;
	s22 =	sshrl.u32 s11, $0x2  }
0xe: {  	s3 =	sadd.s32 s3, s5;
	s11 =	simm.s32 $0x7;
	s10 =	sadd.s32 s7, s0  }
0xf: {  	s0 =	sadd.s32 s8, s0;
	s12 =	ssub.s32 s19, s20;
	s9 =	sadd.s32 s9, s1  }
0x10: {  	s7 =	sor.u32 $0x1C07, s21;
	s8 =	sadd.s32 s22, s1;
	s19 =	simm.s32 $0x4  }
0x11: {  	s20 =	simm.s32 $0xA180;
	s21 =	simm.s32 $0x7900;
	s5 =	sadd.s32 $0x140000, s8  }
0x12: {  	s8 =	sadd.s32 s23, s3;
	s13 =	sadd.s32 $0x53600, s10;
	s0 =	sadd.s32 $0xA3600, s0  }
.Ltmp0:
0x13: {  	s25 =	smax.u32 s12, $0x1;
	s10 =	sshrl.u32 s9, $0x3;
	(pc) =	sbr.rel .LBB2_1-.Ltmp0, $4  }
0x14: {  	v0 =	vimm.f32 $0.0e+00;
	vm0 =	vcmask $0x300;
	s23 =	simm.s32 $0x5;
	[dreg:$0x5] =	wrdreg s25;
	s12 =	sshrl.u32 @!p0 s5, $0x3  }
0x15: {  	vm1 =	vcmask $0x704;
	vm14 =	vcmask $0xB08;
	vm15 =	vcmask $0xF0C;
	s26 =	sadd.s32 $0x10, s8;
	s18 =	sadd.s32 $0x20, s8;
	s3 =	sadd.s32 s24, s13  }
0x16: {  	v5 =	vlaneseq.u32;
	v1 =	vsel vm0, $0x3F800000, v0;
	v2 =	vsel vm1, $0x3F800000, v0;
	s24 =	sadd.s32 @!p0 s14, s0;
	s25 =	simm.s32 $0x6;
	[dreg:$0x6] =	wrdreg s26  }
0x17: {  	v3 =	vsel vm14, $0x3F800000, v0;
	v4 =	vsel vm15, $0x3F800000, v0;
	v5 =	vand.u32 $0x3, v5;
	s0 =	simm.s32 $0x0;
	[dreg:$0x7] =	wrdreg s3;
	s26 =	simm.s32 $0x2  }
.LBB2_10:
0x18: {  	_ =	swait.ge [sflag:s23], $0x2800  }
0x19: {  	[sflag:s23] =	ssyncset.done $0x0  }
0x1a: {  	[sflag:s23] =	ssyncadd.s32 $0xFFFFD800  }
0x1b: {  	_ =	swait.ge [sflag:s25], $0x2800  }
0x1c: {  	[sflag:s25] =	ssyncset.done $0x0  }
0x1d: {  	[sflag:s25] =	ssyncadd.s32 $0xFFFFD800  }
0x1e: {  	[bflag:$0x0] =	sbarrier.arrive $0xFFFF  }
0x1f: {  	s3 =	rddreg [dreg:$0x7]  }
0x20: {  	[hbm:s3], [sflag:s7] =	dma.local [spmem:s10], $0x2800  }
0x21: {  	_ =	swait.ge [sflag:s11], $0x2800  }
0x22: {  	[sflag:s11] =	ssyncset.done $0x0  }
0x23: {  	s3 =	simm.s32 @!p0 $0x7;
	[sflag:s11] =	ssyncadd.s32 $0xFFFFD800  }
0x24: {  	[hbm:s24], [sflag:s7] =	dma.local @!p0 [spmem:s12], $0x280  }
0x25: {  	_ =	swait.ge @!p0 [sflag:s3], $0x280  }
0x26: {  	s0 =	sadd.s32 $0x1, s0;
	s5 =	rddreg [dreg:$0x5]  }
0x27: {  	p1 =	sne.s32 s0, s5  }
.Ltmp1:
0x28: {  	_ = 	snop;
	(pc) =	sbr.rel @!p1 .LBB2_11-.Ltmp1, $3  }
0x29: {  	_ =	sdelay $0x1  }
0x2a: {  	[sflag:s3] =	ssyncset.done @!p0 $0x0  }
0x2b: {  	[sflag:s3] =	ssyncadd.s32 @!p0 $0xFFFFFD80  }
.LBB2_1:
0x2c: {  	[spmem:s10], [sflag:s7] =	dma.local [hbm:s6], $0x2800  }
0x2d: {  	_ =	swait.ge [sflag:s11], $0x2800  }
0x2e: {  	[sflag:s11] =	ssyncset.done $0x0  }
0x2f: {  	s3 =	simm.s32 @!p0 $0x7;
	[sflag:s11] =	ssyncadd.s32 $0xFFFFD800  }
0x30: {  	[spmem:s12], [sflag:s7] =	dma.local @!p0 [hbm:s6], $0x280  }
0x31: {  	_ =	swait.ge @!p0 [sflag:s3], $0x280  }
0x32: {  	[sflag:s3] =	ssyncset.done @!p0 $0x0  }
0x33: {  	s5 =	simm.s32 $0xA200;
	s14 =	rddreg [dreg:$0x4];
	[sflag:s3] =	ssyncadd.s32 @!p0 $0xFFFFFD80  }
0x34: {  	[tilespmem:s5], [sflag:$0x7] =	stream.linear.gather [hbm4b:s14+s2], $0x80, $0x38;
	[tilespmem:$0x1EC80] =	vst v63  }
0x35: {  	_ =	swait.ge [sflag:s11], $0x80  }
0x36: {  	[sflag:s11] =	ssyncset.done $0x0  }
0x37: {  	[sflag:s11] =	ssyncadd.s32 $0xFFFFFF80  }
0x38: {  	[tilespmem:s2], [sflag:$0x7] =	stream.linear.gather [hbm4b:s8+s2], $0x80, $0x38;
	[tilespmem:$0x1EC80] =	vst v63  }
0x39: {  	_ =	swait.ge [sflag:s11], $0x80  }
0x3a: {  	[sflag:s11] =	ssyncset.done $0x0  }
0x3b: {  	s17 =	rddreg [dreg:$0x6];
	[sflag:s11] =	ssyncadd.s32 $0xFFFFFF80  }
0x3c: {  	[tilespmem:s15], [sflag:$0x2] =	stream.linear.gather [hbm4b:s17+s2], $0x80, $0x38;
	[tilespmem:$0x1EC80] =	vst v63  }
0x3d: {  	[bflag:$0x0] =	sbarrier.arrive $0xFFFF  }
0x3e: {  	v6 =	vld [tilespmem:$0xA200]  }
0x3f: {  	v7 =	vld [tilespmem:$0xA210]  }
0x40: {  	v8 =	vld [tilespmem:$0xA220]  }
.Ltmp2:
0x41: {  	v9 =	vld [tilespmem:$0xA230];
	(pc) =	sbr.rel .LBB2_2-.Ltmp2, $4  }
0x42: {  	v10 =	vld [tilespmem:$0xA240]  }
0x43: {  	v11 =	vld [tilespmem:$0xA250]  }
0x44: {  	s22 =	simm.s32 $0x100;
	s3 =	simm.s32 $0x0;
	v12 =	vld [tilespmem:$0xA260]  }
0x45: {  	v13 =	vld [tilespmem:$0xA270];
	[tilespmem:s22], [sflag:$0x3] =	stream.indirect.gather [hbm4b:s4+s16], $0x80, s2, s16, $0xb8  }
.LBB2_9:
0x46: {  	s3 =	sadd.s32 $0x1, s3  }
0x47: {  	p1 =	sne.s32 s3, $0xFA  }
.Ltmp3:
0x48: {  	_ = 	snop;
	(pc) =	sbr.rel @!p1 .LBB2_10-.Ltmp3, $1  }
0x49: {  	_ =	sdelay $0x3  }
.LBB2_2:
0x4a: {  	s13 =	sand.u32 $0x1, s3  }
0x4b: {  	p1 =	seq.s32 s13, $0x1  }
.Ltmp4:
0x4c: {  	_ = 	snop;
	(pc) =	sbr.rel @p1 .LBB2_6-.Ltmp4, $1  }
0x4d: {  	_ =	sdelay $0x3  }
0x4e: {  	_ =	swait.ge [sflag:s26], $0x80  }
0x4f: {  	[sflag:s26] =	ssyncset.done $0x0  }
0x50: {  	[sflag:s26] =	ssyncadd.s32 $0xFFFFFF80  }
0x51: {  	[tilespmem:s28], [sflag:$0x4] =	stream.indirect.gather [hbm4b:s4+s16], $0x80, s15, s16, $0xb8;
	[tilespmem:$0x1EC80] =	vst v63  }
0x52: {  	_ =	swait.ge [sflag:s29], $0x2800  }
0x53: {  	p1 =	slt.u32 s3, $0x2;
	[sflag:s29] =	ssyncset.done $0x0  }
0x54: {  	s5 =	simm.s32 @!p1 $0x5;
	[sflag:s29] =	ssyncadd.s32 $0xFFFFD800  }
0x55: {  	_ =	swait.ge @!p1 [sflag:s5], $0x2800  }
0x56: {  	[sflag:s5] =	ssyncset.done @!p1 $0x0  }
0x57: {  	[sflag:s5] =	ssyncadd.s32 @!p1 $0xFFFFD800  }
0x58: {  	v14 =	vld [tilespmem:$0x28];
	_ =	sdelay $0x1  }
0x59: {  	v15 =	vld [tilespmem:$0x38];
	_ =	sdelay $0x1  }
0x5a: {  	v16 =	vld [tilespmem:$0x40]  }
0x5b: {  	v14 =	vadd.s32 $0xFFFFD8F0, v14  }
0x5c: {  	v17 =	vshra.s32 v14, $0x5  }
0x5d: {  	v15 =	vadd.s32 $0xFFFFD8F0, v15;
	[tilespmem:$0xA100] =	vst v14;
	v14 =	vadd.s32 $0x2800, v17  }
0x5e: {  	[tilespmem:$0xA128] =	vst v14;
	v14 =	vshra.s32 v15, $0x5  }
0x5f: {  	[tilespmem:$0xA110] =	vst v15;
	v15 =	vadd.s32 $0xFFFFD8F0, v16;
	v14 =	vadd.s32 $0x2800, v14  }
0x60: {  	p1 =	sgt.u32 s3, $0xF7;
	[tilespmem:$0xA138] =	vst v14;
	v14 =	vshra.s32 v15, $0x5  }
0x61: {  	s5 =	sshll.u32 @!p1 s3, $0x4;
	[tilespmem:$0xA118] =	vst v15;
	v14 =	vadd.s32 $0x2800, v14  }
0x62: {  	s17 =	simm.s32 $0x1570;
	s9 =	simm.s32 @!p1 $0x0;
	s5 =	sadd.s32 @!p1 s5, s18;
	[tilespmem:$0xA140] =	vst v14  }
0x63: {  	[tilespmem:s9], [sflag:$0x1] =	stream.linear.gather @!p1 [hbm4b:s5+s9], $0x80, $0x38;
	[tilespmem:$0x1EC80] =	vst v63  }
0x64: {  	v14 =	vld [tilespmem:s17+$0x0]  }
0x65: {  	v15 =	vld [tilespmem:s17+$0xFFFFEB90]  }
0x66: {  	v16 =	vld [tilespmem:s17+$0xFFFFFFA0]  }
0x67: {  	v17 =	vld [tilespmem:s17+$0xFFFFEBA0]  }
0x68: {  	v18 =	vld [tilespmem:s17+$0xFFFFFFE0]  }
0x69: {  	v19 =	vld [tilespmem:s17+$0xFFFFEBE0]  }
0x6a: {  	v20 =	vld [tilespmem:s17+$0xFFFFFFD0]  }
0x6b: {  	v21 =	vld [tilespmem:s17+$0xFFFFEBD0]  }
0x6c: {  	v22 =	vld [tilespmem:s17+$0xFFFFFF90]  }
0x6d: {  	v24 =	vld [tilespmem:s17+$0xFFFFFFF0]  }
0x6e: {  	v25 =	vld [tilespmem:s17+$0xFFFFEBF0]  }
0x6f: {  	v23 =	vld [tilespmem:s17+$0xFFFFEC00]  }
0x70: {  	v26 =	vld [tilespmem:s17+$0xFFFFFFC0];
	v18 =	vadd.f32 v18, v19;
	v20 =	vadd.f32 v20, v21  }
0x71: {  	v27 =	vld [tilespmem:s17+$0xFFFFEBC0];
	v16 =	vadd.f32 v16, v17  }
0x72: {  	v29 =	vld [tilespmem:s17+$0xFFFFFFB0];
	v22 =	vadd.f32 v22, v15;
	v30 =	vmul.f32 $2.000000030e-01, v18;
	v54 =	vmul.f32 $2.000000030e-01, v20  }
0x73: {  	v31 =	vld [tilespmem:s17+$0xFFFFEBB0];
	v24 =	vadd.f32 v24, v25;
	v28 =	vmul.f32 $2.000000030e-01, v16  }
0x74: {  	v55 =	vmul.f32 $2.000000030e-01, v22;
	v18 =	vmax.f32 v18, v30;
	v20 =	vmax.f32 v20, v54  }
0x75: {  	v20 =	vmul.f32 v20, v10;
	v18 =	vmul.f32 v18, v11  }
0x76: {  	v14 =	vadd.f32 v14, v23;
	v26 =	vadd.f32 v26, v27;
	v56 =	vmul.f32 $2.000000030e-01, v24  }
0x77: {  	v16 =	vmax.f32 v16, v28;
	v22 =	vmax.f32 v22, v55;
	v18 =	vadd.f32 v18, v20  }
0x78: {  	v29 =	vadd.f32 v29, v31;
	v16 =	vmul.f32 v16, v7;
	v22 =	vmul.f32 v22, v6  }
0x79: {  	v57 =	vmul.f32 $2.000000030e-01, v14;
	v60 =	vmul.f32 $2.000000030e-01, v26;
	(xrf2) =	vadd.scan.msk.f32 $0xffff, v18  }
0x7a: {  	v59 =	vmul.f32 $2.000000030e-01, v29;
	v16 =	vadd.f32 v16, v22  }
0x7b: {  	v58 =	vmax.f32 v24, v56;
	v14 =	vmax.f32 v14, v57;
	v61 =	vmax.f32 v26, v60  }
0x7c: {  	v14 =	vmul.f32 v14, v13;
	v20 =	vmul.f32 v58, v12;
	v18 =	vmax.f32 v29, v59;
	(xrf2) =	vadd.scan.msk.f32 $0xffff, v16  }
0x7d: {  	v22 =	vmul.f32 v61, v9;
	v18 =	vmul.f32 v18, v8  }
0x7e: {  	v14 =	vadd.f32 v14, v20  }
0x7f: {  	v16 =	vadd.f32 v22, v18  }
0x80: {  	(xrf2) =	vadd.scan.msk.f32 $0xffff, v14  }
0x81: {  	(xrf2) =	vadd.scan.msk.f32 $0xffff, v16;
	_ =	sdelay $0x1  }
0x82: {  	v14, _, _ =	vpop (xrf2)  }
0x83: {  	v14 =	vmul.f32 $1.442695020e+00, v14;
	_ =	sdelay $0x1  }
0x84: {  	v16, _, _ =	vpop (xrf2);
	v14 =	vbroadcast v14, $0xF  }
0x85: {  	v16 =	vmul.f32 $1.442695020e+00, v16;
	_ =	sdelay $0x1  }
0x86: {  	v16 =	vbroadcast v16, $0xF  }
0x87: {  	(erf) = vpow2.f32 v14;
	v14, _, _ =	vpop (xrf2)  }
0x88: {  	(erf) = vpow2.f32 v16;
	v14 =	vmul.f32 $1.442695020e+00, v14;
	v18, _, _ =	vpop (xrf2)  }
0x89: {  	v18 =	vmul.f32 $1.442695020e+00, v18  }
0x8a: {  	v14 =	vbroadcast v14, $0xF  }
0x8b: {  	s5 =	simm.s32 $0x6570;
	v16 =	vbroadcast v18, $0xF  }
0x8c: {  	[tilespmem:s5+$0xFFFFFF90] =	vst v0;
	(erf) = vpow2.f32 v14  }
0x8d: {  	[tilespmem:s5+$0xFFFFFFA0] =	vst v0;
	(erf) = vpow2.f32 v16  }
0x8e: {  	[tilespmem:s5+$0xFFFFFFB0] =	vst v0  }
0x8f: {  	[tilespmem:s5+$0xFFFFFFC0] =	vst v0  }
0x90: {  	[tilespmem:s5+$0xFFFFFFD0] =	vst v0;
	v16 =	vpop (erf)  }
0x91: {  	[tilespmem:s5+$0xFFFFFFE0] =	vst v0;
	v14 =	vmul.f32 v16, v21;
	v18 =	vmul.f32 v16, v19;
	v19 =	vpop (erf)  }
0x92: {  	[tilespmem:s5+$0xFFFFFFF0] =	vst v0;
	v15 =	vmul.f32 v19, v15  }
0x93: {  	[tilespmem:s5+$0x0] =	vst v0  }
0x94: {  	[tilespmem:s5+$0xFFFFEBD0] =	vst v14  }
0x95: {  	v17 =	vmul.f32 v19, v17;
	[tilespmem:s5+$0xFFFFEBE0] =	vst v18;
	v14 =	vpop (erf)  }
0x96: {  	s9 =	simm.s32 $0x0;
	[tilespmem:s5+$0xFFFFEB90] =	vst v15;
	v18 =	vmul.f32 v14, v25;
	v15 =	vpop (erf)  }
0x97: {  	v63 =	vmov s9;
	[tilespmem:s5+$0xFFFFEBA0] =	vst v17;
	v62 =	vmul.f32 v14, v23;
	v17 =	vmul.f32 v15, v31  }
0x98: {  	[tilespmem:s5+$0xFFFFEBF0] =	vst v18;
	v18 =	vmul.f32 v1, v19;
	v19 =	vmul.f32 v2, v15  }
0x99: {  	v15 =	vmul.f32 v15, v27;
	[tilespmem:s5+$0xFFFFEC00] =	vst v62  }
0x9a: {  	v16 =	vmul.f32 v3, v16;
	[tilespmem:s5+$0xFFFFEBB0] =	vst v17;
	v17 =	vadd.f32 v19, v18  }
0x9b: {  	[tilespmem:s5+$0xFFFFEBC0] =	vst v15  }
0x9c: {  	s14 =	simm.s32 $0x1;
	v15 =	vadd.f32 v16, v17;
	v16 =	vld.idx.msk [tilespmem:v63+s30+$0x0], $0xffff  }
.LBB2_4:
0x9d: {  	_ =	sdelay $0x1  }
0x9e: {  	p1 =	sne.s32 s14, $0x27;
	s17 =	sadd.s32 $0x80, s17;
	s5 =	sadd.s32 $0x80, s5  }
0x9f: {  	s22 =	sshll.u32 s9, $0x7;
	s9 =	smov.u32 s14;
	s14 =	sadd.s32 $0x1, s14  }
0xa0: {  	s22 =	sadd.s32 $0x1400, s22;
	v16 =	vshll.u32 v16, $0x2  }
0xa1: {  	v16 =	vand.u32 $0x7C, v16  }
0xa2: {  	v16 =	vor.u32 s22, v16  }
0xa3: {  	v14 =	vmul.f32 v4, v14;
	v16 =	vor.u32 v5, v16;
	_ =	sdelay $0x1  }
0xa4: {  	v14 =	vadd.f32 v14, v15;
	_ =	sdelay $0x2  }
0xa5: {  	[tilespmem:v16+s31+$0x0] =	vst.idx.msk $0xf, v14  }
0xa6: {  	v16 =	vld [tilespmem:s17+$0x0]  }
0xa7: {  	v14 =	vld [tilespmem:s17+$0xFFFFEB90]  }
0xa8: {  	v17 =	vld [tilespmem:s17+$0xFFFFFFA0]  }
0xa9: {  	v15 =	vld [tilespmem:s17+$0xFFFFEBA0]  }
0xaa: {  	v18 =	vld [tilespmem:s17+$0xFFFFFFE0]  }
0xab: {  	v19 =	vld [tilespmem:s17+$0xFFFFEBE0]  }
0xac: {  	v20 =	vld [tilespmem:s17+$0xFFFFFFD0]  }
0xad: {  	v21 =	vld [tilespmem:s17+$0xFFFFEBD0]  }
0xae: {  	v22 =	vld [tilespmem:s17+$0xFFFFFF90];
	v17 =	vadd.f32 v17, v15  }
0xaf: {  	v23 =	vld [tilespmem:s17+$0xFFFFEC00]  }
0xb0: {  	v24 =	vmul.f32 $2.000000030e-01, v17;
	v18 =	vadd.f32 v18, v19;
	v25 =	vld [tilespmem:s17+$0xFFFFFFF0]  }
0xb1: {  	v26 =	vld [tilespmem:s17+$0xFFFFEBF0]  }
0xb2: {  	v17 =	vmax.f32 v17, v24;
	v24 =	vld [tilespmem:s17+$0xFFFFFFC0];
	v20 =	vadd.f32 v20, v21;
	v27 =	vmul.f32 $2.000000030e-01, v18  }
0xb3: {  	v22 =	vadd.f32 v22, v14;
	v28 =	vld [tilespmem:s17+$0xFFFFEBC0]  }
0xb4: {  	v29 =	vld [tilespmem:s17+$0xFFFFFFB0];
	v30 =	vmul.f32 $2.000000030e-01, v20;
	v18 =	vmax.f32 v18, v27;
	v16 =	vadd.f32 v16, v23  }
0xb5: {  	v17 =	vmul.f32 v17, v7;
	v27 =	vmul.f32 $2.000000030e-01, v22;
	v31 =	vld [tilespmem:s17+$0xFFFFEBB0]  }
0xb6: {  	v20 =	vmax.f32 v20, v30;
	v25 =	vadd.f32 v25, v26;
	v30 =	vmul.f32 $2.000000030e-01, v16;
	[tilespmem:s5+$0xFFFFFF90] =	vst v0  }
0xb7: {  	v18 =	vmul.f32 v18, v11;
	v22 =	vmax.f32 v22, v27;
	v20 =	vmul.f32 v20, v10;
	[tilespmem:s5+$0xFFFFFFA0] =	vst v0  }
0xb8: {  	v22 =	vmul.f32 v22, v6;
	v27 =	vmul.f32 $2.000000030e-01, v25;
	v16 =	vmax.f32 v16, v30;
	[tilespmem:s5+$0xFFFFFFB0] =	vst v0  }
0xb9: {  	v24 =	vadd.f32 v24, v28;
	v18 =	vadd.f32 v18, v20;
	[tilespmem:s5+$0xFFFFFFC0] =	vst v0  }
0xba: {  	v17 =	vadd.f32 v17, v22;
	v20 =	vadd.f32 v29, v31;
	v22 =	vmax.f32 v25, v27;
	[tilespmem:s5+$0xFFFFFFD0] =	vst v0  }
0xbb: {  	v16 =	vmul.f32 v16, v13;
	v22 =	vmul.f32 v22, v12;
	[tilespmem:s5+$0xFFFFFFE0] =	vst v0;
	(xrf2) =	vadd.scan.msk.f32 $0xffff, v18  }
0xbc: {  	v25 =	vmul.f32 $2.000000030e-01, v24;
	v18 =	vmul.f32 $2.000000030e-01, v20;
	[tilespmem:s5+$0xFFFFFFF0] =	vst v0  }
0xbd: {  	v16 =	vadd.f32 v16, v22;
	[tilespmem:s5+$0x0] =	vst v0  }
0xbe: {  	v18 =	vmax.f32 v20, v18;
	v20 =	vmax.f32 v24, v25;
	(xrf2) =	vadd.scan.msk.f32 $0xffff, v17  }
0xbf: {  	v17 =	vmul.f32 v18, v8;
	v18 =	vmul.f32 v20, v9;
	_ =	sdelay $0x1  }
0xc0: {  	v17 =	vadd.f32 v18, v17;
	(xrf2) =	vadd.scan.msk.f32 $0xffff, v16;
	_ =	sdelay $0x2  }
0xc1: {  	(xrf2) =	vadd.scan.msk.f32 $0xffff, v17  }
0xc2: {  	v16, _, _ =	vpop (xrf2)  }
0xc3: {  	v16 =	vmul.f32 $1.442695020e+00, v16;
	_ =	sdelay $0x1  }
0xc4: {  	v16 =	vbroadcast v16, $0xF;
	v17, _, _ =	vpop (xrf2);
	_ =	sdelay $0x1  }
0xc5: {  	(erf) = vpow2.f32 v16  }
0xc6: {  	v16 =	vmul.f32 $1.442695020e+00, v17;
	v17, _, _ =	vpop (xrf2)  }
0xc7: {  	v17 =	vmul.f32 $1.442695020e+00, v17  }
0xc8: {  	v16 =	vbroadcast v16, $0xF  }
0xc9: {  	v17 =	vbroadcast v17, $0xF;
	v18, _, _ =	vpop (xrf2)  }
0xca: {  	v18 =	vmul.f32 $1.442695020e+00, v18  }
0xcb: {  	(erf) = vpow2.f32 v16  }
0xcc: {  	v18 =	vbroadcast v18, $0xF;
	(erf) = vpow2.f32 v17;
	_ =	sdelay $0x1  }
0xcd: {  	(erf) = vpow2.f32 v18;
	v16 =	vpop (erf)  }
0xce: {  	v17 =	vmul.f32 v16, v21;
	v18 =	vmul.f32 v16, v19;
	_ =	sdelay $0x1  }
0xcf: {  	[tilespmem:s5+$0xFFFFEBD0] =	vst v17  }
0xd0: {  	[tilespmem:s5+$0xFFFFEBE0] =	vst v18;
	_ =	sdelay $0x1  }
0xd1: {  	v17 =	vpop (erf)  }
0xd2: {  	v18 =	vmul.f32 v17, v14;
	v15 =	vmul.f32 v17, v15;
	v14 =	vpop (erf)  }
0xd3: {  	v19 =	vmul.f32 v14, v26;
	v20 =	vmul.f32 v14, v23  }
0xd4: {  	[tilespmem:s5+$0xFFFFEB90] =	vst v18;
	v18 =	vmov s9;
	v21 =	vpop (erf)  }
0xd5: {  	[tilespmem:s5+$0xFFFFEBA0] =	vst v15;
	v15 =	vmul.f32 v21, v31;
	v22 =	vmul.f32 v21, v28  }
.Ltmp5:
0xd6: {  	v17 =	vmul.f32 v1, v17;
	[tilespmem:s5+$0xFFFFEBF0] =	vst v19;
	v19 =	vmul.f32 v2, v21;
	(pc) =	sbr.rel @p1 .LBB2_4-.Ltmp5, $4  }
0xd7: {  	[tilespmem:s5+$0xFFFFEBB0] =	vst v15  }
0xd8: {  	v16 =	vmul.f32 v3, v16;
	[tilespmem:s5+$0xFFFFEC00] =	vst v20;
	v15 =	vadd.f32 v19, v17  }
0xd9: {  	[tilespmem:s5+$0xFFFFEBC0] =	vst v22  }
0xda: {  	v15 =	vadd.f32 v16, v15;
	v16 =	vld.idx.msk [tilespmem:v18+s30+$0x0], $0xffff  }
0xdb: {  	_ =	sdelay $0x3  }
0xdc: {  	s5 =	sshll.u32 s9, $0x7;
	v16 =	vshll.u32 v16, $0x2  }
0xdd: {  	s5 =	sadd.s32 $0x1400, s5;
	v16 =	vand.u32 $0x7C, v16  }
0xde: {  	v16 =	vor.u32 s5, v16  }
0xdf: {  	v16 =	vor.u32 v5, v16  }
0xe0: {  	v14 =	vmul.f32 v4, v14;
	p1 =	seq.s32 s13, $0x0  }
.Ltmp6:
0xe1: {  	_ = 	snop;
	(pc) =	sbr.rel @p1 .LBB2_9-.Ltmp6, $3  }
0xe2: {  	v14 =	vadd.f32 v14, v15;
	_ =	sdelay $0x1  }
0xe3: {  	[tilespmem:v16+s31+$0x0] =	vst.idx.msk $0xf, v14  }
0xe4: {  	[spmem:s1] =	stream.indirect.scatter.add.f32 [tilespmem:s31], [sflag:$0x5], $0x80, s30, s16, $0xb8;
	[tilespmem:$0x1EC80] =	vst v63  }
.LBB2_6:
0xe5: {  	p1 =	seq.s32 s3, $0xF9  }
0xe6: {  	s5 =	simm.s32 @!p1 $0x1  }
0xe7: {  	_ =	swait.ge @!p1 [sflag:s5], $0x80  }
0xe8: {  	s9 =	simm.s32 @!p1 $0x0;
	[sflag:s5] =	ssyncset.done @!p1 $0x0  }
0xe9: {  	s13 =	simm.s32 @!p1 $0x100;
	[sflag:s5] =	ssyncadd.s32 @!p1 $0xFFFFFF80;
	s5 =	simm.s32 @!p1 $0x50  }
0xea: {  	[tilespmem:s13], [sflag:$0x3] =	stream.indirect.gather @!p1 [hbm4b:s4+s5], $0x80, s9, s5, $0xb8;
	[tilespmem:$0x1EC80] =	vst v63  }
0xeb: {  	_ =	swait.ge [sflag:s19], $0x2800  }
0xec: {  	p1 =	slt.u32 s3, $0x2;
	[sflag:s19] =	ssyncset.done $0x0  }
0xed: {  	s5 =	simm.s32 @!p1 $0x6;
	[sflag:s19] =	ssyncadd.s32 $0xFFFFD800  }
0xee: {  	_ =	swait.ge @!p1 [sflag:s5], $0x2800  }
0xef: {  	[sflag:s5] =	ssyncset.done @!p1 $0x0  }
0xf0: {  	[sflag:s5] =	ssyncadd.s32 @!p1 $0xFFFFD800  }
0xf1: {  	v14 =	vld [tilespmem:$0xA8];
	_ =	sdelay $0x1  }
0xf2: {  	v15 =	vld [tilespmem:$0xB8];
	_ =	sdelay $0x1  }
0xf3: {  	v16 =	vld [tilespmem:$0xC0]  }
0xf4: {  	v14 =	vadd.s32 $0xFFFFD8F0, v14  }
0xf5: {  	v17 =	vshra.s32 v14, $0x5  }
0xf6: {  	v15 =	vadd.s32 $0xFFFFD8F0, v15;
	[tilespmem:$0xA180] =	vst v14;
	v14 =	vadd.s32 $0x2800, v17  }
0xf7: {  	[tilespmem:$0xA1A8] =	vst v14;
	v14 =	vshra.s32 v15, $0x5  }
0xf8: {  	[tilespmem:$0xA190] =	vst v15;
	v15 =	vadd.s32 $0xFFFFD8F0, v16;
	v14 =	vadd.s32 $0x2800, v14  }
0xf9: {  	p1 =	sgt.u32 s3, $0xF7;
	[tilespmem:$0xA1B8] =	vst v14;
	v14 =	vshra.s32 v15, $0x5  }
0xfa: {  	s5 =	sshll.u32 @!p1 s3, $0x4;
	[tilespmem:$0xA198] =	vst v15;
	v14 =	vadd.s32 $0x2800, v14  }
0xfb: {  	s9 =	simm.s32 @!p1 $0x0;
	s13 =	simm.s32 @!p1 $0x80;
	s5 =	sadd.s32 @!p1 s5, s18;
	[tilespmem:$0xA1C0] =	vst v14  }
0xfc: {  	[tilespmem:s13], [sflag:$0x2] =	stream.linear.gather @!p1 [hbm4b:s5+s9], $0x80, $0x38;
	[tilespmem:$0x1EC80] =	vst v63  }
0xfd: {  	s13 =	simm.s32 $0x3D70  }
0xfe: {  	v14 =	vld [tilespmem:s13+$0x0]  }
0xff: {  	v15 =	vld [tilespmem:s13+$0xFFFFEB90]  }
0x100: {  	v16 =	vld [tilespmem:s13+$0xFFFFFFA0]  }
0x101: {  	v17 =	vld [tilespmem:s13+$0xFFFFEBA0]  }
0x102: {  	v18 =	vld [tilespmem:s13+$0xFFFFFFE0]  }
0x103: {  	v19 =	vld [tilespmem:s13+$0xFFFFEBE0]  }
0x104: {  	v20 =	vld [tilespmem:s13+$0xFFFFFFD0]  }
0x105: {  	v21 =	vld [tilespmem:s13+$0xFFFFEBD0]  }
0x106: {  	v22 =	vld [tilespmem:s13+$0xFFFFFF90]  }
0x107: {  	v24 =	vld [tilespmem:s13+$0xFFFFFFF0]  }
0x108: {  	v25 =	vld [tilespmem:s13+$0xFFFFEBF0]  }
0x109: {  	v23 =	vld [tilespmem:s13+$0xFFFFEC00]  }
0x10a: {  	v26 =	vld [tilespmem:s13+$0xFFFFFFC0];
	v18 =	vadd.f32 v18, v19;
	v20 =	vadd.f32 v20, v21  }
0x10b: {  	v27 =	vld [tilespmem:s13+$0xFFFFEBC0];
	v16 =	vadd.f32 v16, v17  }
0x10c: {  	v29 =	vld [tilespmem:s13+$0xFFFFFFB0];
	v22 =	vadd.f32 v22, v15;
	v30 =	vmul.f32 $2.000000030e-01, v18;
	v54 =	vmul.f32 $2.000000030e-01, v20  }
0x10d: {  	v31 =	vld [tilespmem:s13+$0xFFFFEBB0];
	v24 =	vadd.f32 v24, v25;
	v28 =	vmul.f32 $2.000000030e-01, v16  }
0x10e: {  	v55 =	vmul.f32 $2.000000030e-01, v22;
	v18 =	vmax.f32 v18, v30;
	v20 =	vmax.f32 v20, v54  }
0x10f: {  	v20 =	vmul.f32 v20, v10;
	v18 =	vmul.f32 v18, v11  }
0x110: {  	v14 =	vadd.f32 v14, v23;
	v26 =	vadd.f32 v26, v27;
	v56 =	vmul.f32 $2.000000030e-01, v24  }
0x111: {  	v16 =	vmax.f32 v16, v28;
	v22 =	vmax.f32 v22, v55;
	v18 =	vadd.f32 v18, v20  }
0x112: {  	v29 =	vadd.f32 v29, v31;
	v16 =	vmul.f32 v16, v7;
	v22 =	vmul.f32 v22, v6  }
0x113: {  	v57 =	vmul.f32 $2.000000030e-01, v14;
	v60 =	vmul.f32 $2.000000030e-01, v26;
	(xrf2) =	vadd.scan.msk.f32 $0xffff, v18  }
0x114: {  	v59 =	vmul.f32 $2.000000030e-01, v29;
	v16 =	vadd.f32 v16, v22  }
0x115: {  	v58 =	vmax.f32 v24, v56;
	v14 =	vmax.f32 v14, v57;
	v61 =	vmax.f32 v26, v60  }
0x116: {  	v14 =	vmul.f32 v14, v13;
	v20 =	vmul.f32 v58, v12;
	v18 =	vmax.f32 v29, v59;
	(xrf2) =	vadd.scan.msk.f32 $0xffff, v16  }
0x117: {  	v22 =	vmul.f32 v61, v9;
	v18 =	vmul.f32 v18, v8  }
0x118: {  	v14 =	vadd.f32 v14, v20  }
0x119: {  	v16 =	vadd.f32 v22, v18  }
0x11a: {  	(xrf2) =	vadd.scan.msk.f32 $0xffff, v14  }
0x11b: {  	(xrf2) =	vadd.scan.msk.f32 $0xffff, v16;
	_ =	sdelay $0x1  }
0x11c: {  	v14, _, _ =	vpop (xrf2)  }
0x11d: {  	v14 =	vmul.f32 $1.442695020e+00, v14;
	_ =	sdelay $0x1  }
0x11e: {  	v16, _, _ =	vpop (xrf2);
	v14 =	vbroadcast v14, $0xF  }
0x11f: {  	v16 =	vmul.f32 $1.442695020e+00, v16;
	_ =	sdelay $0x1  }
0x120: {  	v16 =	vbroadcast v16, $0xF  }
0x121: {  	(erf) = vpow2.f32 v14;
	v14, _, _ =	vpop (xrf2)  }
0x122: {  	(erf) = vpow2.f32 v16;
	v14 =	vmul.f32 $1.442695020e+00, v14;
	v18, _, _ =	vpop (xrf2)  }
0x123: {  	v18 =	vmul.f32 $1.442695020e+00, v18  }
0x124: {  	v14 =	vbroadcast v14, $0xF  }
0x125: {  	s5 =	simm.s32 $0x8D70;
	v16 =	vbroadcast v18, $0xF  }
0x126: {  	[tilespmem:s5+$0xFFFFFF90] =	vst v0;
	(erf) = vpow2.f32 v14  }
0x127: {  	[tilespmem:s5+$0xFFFFFFA0] =	vst v0;
	(erf) = vpow2.f32 v16  }
0x128: {  	[tilespmem:s5+$0xFFFFFFB0] =	vst v0  }
0x129: {  	[tilespmem:s5+$0xFFFFFFC0] =	vst v0  }
0x12a: {  	[tilespmem:s5+$0xFFFFFFD0] =	vst v0;
	v16 =	vpop (erf)  }
0x12b: {  	[tilespmem:s5+$0xFFFFFFE0] =	vst v0;
	v14 =	vmul.f32 v16, v21;
	v18 =	vmul.f32 v16, v19;
	v19 =	vpop (erf)  }
0x12c: {  	[tilespmem:s5+$0xFFFFFFF0] =	vst v0;
	v15 =	vmul.f32 v19, v15  }
0x12d: {  	[tilespmem:s5+$0x0] =	vst v0  }
0x12e: {  	[tilespmem:s5+$0xFFFFEBD0] =	vst v14  }
0x12f: {  	v17 =	vmul.f32 v19, v17;
	[tilespmem:s5+$0xFFFFEBE0] =	vst v18;
	v14 =	vpop (erf)  }
0x130: {  	s9 =	simm.s32 $0x0;
	[tilespmem:s5+$0xFFFFEB90] =	vst v15;
	v18 =	vmul.f32 v14, v25;
	v15 =	vpop (erf)  }
0x131: {  	v63 =	vmov s9;
	[tilespmem:s5+$0xFFFFEBA0] =	vst v17;
	v62 =	vmul.f32 v14, v23;
	v17 =	vmul.f32 v15, v31  }
0x132: {  	[tilespmem:s5+$0xFFFFEBF0] =	vst v18;
	v18 =	vmul.f32 v1, v19;
	v19 =	vmul.f32 v2, v15  }
0x133: {  	v15 =	vmul.f32 v15, v27;
	[tilespmem:s5+$0xFFFFEC00] =	vst v62  }
0x134: {  	v16 =	vmul.f32 v3, v16;
	[tilespmem:s5+$0xFFFFEBB0] =	vst v17;
	v17 =	vadd.f32 v19, v18  }
0x135: {  	[tilespmem:s5+$0xFFFFEBC0] =	vst v15  }
0x136: {  	s14 =	simm.s32 $0x1;
	v15 =	vadd.f32 v16, v17;
	v16 =	vld.idx.msk [tilespmem:v63+s20+$0x0], $0xffff  }
.LBB2_7:
0x137: {  	_ =	sdelay $0x1  }
0x138: {  	p1 =	sne.s32 s14, $0x27;
	s13 =	sadd.s32 $0x80, s13;
	s5 =	sadd.s32 $0x80, s5  }
0x139: {  	s17 =	sshll.u32 s9, $0x7;
	s9 =	smov.u32 s14;
	s14 =	sadd.s32 $0x1, s14  }
0x13a: {  	s17 =	sadd.s32 $0x1400, s17;
	v16 =	vshll.u32 v16, $0x2  }
0x13b: {  	v16 =	vand.u32 $0x7C, v16  }
0x13c: {  	v16 =	vor.u32 s17, v16  }
0x13d: {  	v14 =	vmul.f32 v4, v14;
	v16 =	vor.u32 v5, v16;
	_ =	sdelay $0x1  }
0x13e: {  	v14 =	vadd.f32 v14, v15;
	_ =	sdelay $0x2  }
0x13f: {  	[tilespmem:v16+s21+$0x0] =	vst.idx.msk $0xf, v14  }
0x140: {  	v16 =	vld [tilespmem:s13+$0x0]  }
0x141: {  	v14 =	vld [tilespmem:s13+$0xFFFFEB90]  }
0x142: {  	v17 =	vld [tilespmem:s13+$0xFFFFFFA0]  }
0x143: {  	v15 =	vld [tilespmem:s13+$0xFFFFEBA0]  }
0x144: {  	v18 =	vld [tilespmem:s13+$0xFFFFFFE0]  }
0x145: {  	v19 =	vld [tilespmem:s13+$0xFFFFEBE0]  }
0x146: {  	v20 =	vld [tilespmem:s13+$0xFFFFFFD0]  }
0x147: {  	v21 =	vld [tilespmem:s13+$0xFFFFEBD0]  }
0x148: {  	v22 =	vld [tilespmem:s13+$0xFFFFFF90];
	v17 =	vadd.f32 v17, v15  }
0x149: {  	v23 =	vld [tilespmem:s13+$0xFFFFEC00]  }
0x14a: {  	v24 =	vmul.f32 $2.000000030e-01, v17;
	v18 =	vadd.f32 v18, v19;
	v25 =	vld [tilespmem:s13+$0xFFFFFFF0]  }
0x14b: {  	v26 =	vld [tilespmem:s13+$0xFFFFEBF0]  }
0x14c: {  	v17 =	vmax.f32 v17, v24;
	v24 =	vld [tilespmem:s13+$0xFFFFFFC0];
	v20 =	vadd.f32 v20, v21;
	v27 =	vmul.f32 $2.000000030e-01, v18  }
0x14d: {  	v22 =	vadd.f32 v22, v14;
	v28 =	vld [tilespmem:s13+$0xFFFFEBC0]  }
0x14e: {  	v29 =	vld [tilespmem:s13+$0xFFFFFFB0];
	v30 =	vmul.f32 $2.000000030e-01, v20;
	v18 =	vmax.f32 v18, v27;
	v16 =	vadd.f32 v16, v23  }
0x14f: {  	v17 =	vmul.f32 v17, v7;
	v27 =	vmul.f32 $2.000000030e-01, v22;
	v31 =	vld [tilespmem:s13+$0xFFFFEBB0]  }
0x150: {  	v20 =	vmax.f32 v20, v30;
	v25 =	vadd.f32 v25, v26;
	v30 =	vmul.f32 $2.000000030e-01, v16;
	[tilespmem:s5+$0xFFFFFF90] =	vst v0  }
0x151: {  	v18 =	vmul.f32 v18, v11;
	v22 =	vmax.f32 v22, v27;
	v20 =	vmul.f32 v20, v10;
	[tilespmem:s5+$0xFFFFFFA0] =	vst v0  }
0x152: {  	v22 =	vmul.f32 v22, v6;
	v27 =	vmul.f32 $2.000000030e-01, v25;
	v16 =	vmax.f32 v16, v30;
	[tilespmem:s5+$0xFFFFFFB0] =	vst v0  }
0x153: {  	v24 =	vadd.f32 v24, v28;
	v18 =	vadd.f32 v18, v20;
	[tilespmem:s5+$0xFFFFFFC0] =	vst v0  }
0x154: {  	v17 =	vadd.f32 v17, v22;
	v20 =	vadd.f32 v29, v31;
	v22 =	vmax.f32 v25, v27;
	[tilespmem:s5+$0xFFFFFFD0] =	vst v0  }
0x155: {  	v16 =	vmul.f32 v16, v13;
	v22 =	vmul.f32 v22, v12;
	[tilespmem:s5+$0xFFFFFFE0] =	vst v0;
	(xrf2) =	vadd.scan.msk.f32 $0xffff, v18  }
0x156: {  	v25 =	vmul.f32 $2.000000030e-01, v24;
	v18 =	vmul.f32 $2.000000030e-01, v20;
	[tilespmem:s5+$0xFFFFFFF0] =	vst v0  }
0x157: {  	v16 =	vadd.f32 v16, v22;
	[tilespmem:s5+$0x0] =	vst v0  }
0x158: {  	v18 =	vmax.f32 v20, v18;
	v20 =	vmax.f32 v24, v25;
	(xrf2) =	vadd.scan.msk.f32 $0xffff, v17  }
0x159: {  	v17 =	vmul.f32 v18, v8;
	v18 =	vmul.f32 v20, v9;
	_ =	sdelay $0x1  }
0x15a: {  	v17 =	vadd.f32 v18, v17;
	(xrf2) =	vadd.scan.msk.f32 $0xffff, v16;
	_ =	sdelay $0x2  }
0x15b: {  	(xrf2) =	vadd.scan.msk.f32 $0xffff, v17  }
0x15c: {  	v16, _, _ =	vpop (xrf2)  }
0x15d: {  	v16 =	vmul.f32 $1.442695020e+00, v16;
	_ =	sdelay $0x1  }
0x15e: {  	v16 =	vbroadcast v16, $0xF;
	v17, _, _ =	vpop (xrf2);
	_ =	sdelay $0x1  }
0x15f: {  	(erf) = vpow2.f32 v16  }
0x160: {  	v16 =	vmul.f32 $1.442695020e+00, v17;
	v17, _, _ =	vpop (xrf2)  }
0x161: {  	v17 =	vmul.f32 $1.442695020e+00, v17  }
0x162: {  	v16 =	vbroadcast v16, $0xF  }
0x163: {  	v17 =	vbroadcast v17, $0xF;
	v18, _, _ =	vpop (xrf2)  }
0x164: {  	v18 =	vmul.f32 $1.442695020e+00, v18  }
0x165: {  	(erf) = vpow2.f32 v16  }
0x166: {  	v18 =	vbroadcast v18, $0xF;
	(erf) = vpow2.f32 v17;
	_ =	sdelay $0x1  }
0x167: {  	(erf) = vpow2.f32 v18;
	v16 =	vpop (erf)  }
0x168: {  	v17 =	vmul.f32 v16, v21;
	v18 =	vmul.f32 v16, v19;
	_ =	sdelay $0x1  }
0x169: {  	[tilespmem:s5+$0xFFFFEBD0] =	vst v17  }
0x16a: {  	[tilespmem:s5+$0xFFFFEBE0] =	vst v18;
	_ =	sdelay $0x1  }
0x16b: {  	v17 =	vpop (erf)  }
0x16c: {  	v18 =	vmul.f32 v17, v14;
	v15 =	vmul.f32 v17, v15;
	v14 =	vpop (erf)  }
0x16d: {  	v19 =	vmul.f32 v14, v26;
	v20 =	vmul.f32 v14, v23  }
0x16e: {  	[tilespmem:s5+$0xFFFFEB90] =	vst v18;
	v18 =	vmov s9;
	v21 =	vpop (erf)  }
0x16f: {  	[tilespmem:s5+$0xFFFFEBA0] =	vst v15;
	v15 =	vmul.f32 v21, v31;
	v22 =	vmul.f32 v21, v28  }
.Ltmp7:
0x170: {  	v17 =	vmul.f32 v1, v17;
	[tilespmem:s5+$0xFFFFEBF0] =	vst v19;
	v19 =	vmul.f32 v2, v21;
	(pc) =	sbr.rel @p1 .LBB2_7-.Ltmp7, $4  }
0x171: {  	[tilespmem:s5+$0xFFFFEBB0] =	vst v15  }
0x172: {  	v16 =	vmul.f32 v3, v16;
	[tilespmem:s5+$0xFFFFEC00] =	vst v20;
	v15 =	vadd.f32 v19, v17  }
0x173: {  	[tilespmem:s5+$0xFFFFEBC0] =	vst v22  }
0x174: {  	v15 =	vadd.f32 v16, v15;
	v16 =	vld.idx.msk [tilespmem:v18+s20+$0x0], $0xffff  }
0x175: {  	_ =	sdelay $0x3  }
0x176: {  	s5 =	sshll.u32 s9, $0x7;
	v16 =	vshll.u32 v16, $0x2  }
0x177: {  	s5 =	sadd.s32 $0x1400, s5;
	v16 =	vand.u32 $0x7C, v16  }
0x178: {  	v16 =	vor.u32 s5, v16  }
0x179: {  	v16 =	vor.u32 v5, v16  }
0x17a: {  	v14 =	vmul.f32 v4, v14  }
.Ltmp8:
0x17b: {  	_ = 	snop;
	(pc) =	sbr.rel .LBB2_9-.Ltmp8, $3  }
0x17c: {  	v14 =	vadd.f32 v14, v15;
	_ =	sdelay $0x1  }
0x17d: {  	[tilespmem:v16+s21+$0x0] =	vst.idx.msk $0xf, v14  }
0x17e: {  	[spmem:s1] =	stream.indirect.scatter.add.f32 [tilespmem:s21], [sflag:$0x6], $0x80, s20, s16, $0xb8;
	[tilespmem:$0x1EC80] =	vst v63  }
.LBB2_11:
0x17f: {  	_ =	sfence.sel $0x180000  }
0x180: {  	[bflag:$0x0] =	sbarrier.arrive $0xFFFF  }
0x181: {  	_ =	strace $0x90000047  }
0x182: {  	s0 =	stileid.u32;
	[bflag:$0x2] =	sbarrier.arrive $0xFFFF  }
0x183: {  	p0 =	sne.s32 s0, $0x0;
	s0 =	rddreg [dreg:$0x3]  }
0x184: {  	s0 =	sadd.s32 @!p0 $0x100000, s0  }
0x185: {  	[sflag:s0] =	ssyncadd.tile.s32 @!p0 $0x1;
	_ =	shalt  }
.Lfunc_end2:
_tile_overlayer_lowered:
.L_overlay_start_2:
0x186: {  	(tag) =	ssettag $0x2  }
0x187: {  	s0 =	rddreg [dreg:$0x0];
	s2 =	stileid.u32  }
0x188: {  	s1 =	rddreg [dreg:$0x1];
	p0 =	sne.s32 s2, $0x0  }
0x189: {  	s3 =	rddreg [dreg:$0x2];
	[bflag:$0x3] =	sbarrier.arrive $0xFFFF;
	s2 =	simm.s32 @!p0 $0x1C07  }
0x18a: {  	[timem:s3], [sflag:s2] =	dma.local @!p0 [hbm:s0], s1  }
0x18b: {  	s0 =	simm.s32 @!p0 $0x7  }
0x18c: {  	_ =	swait.ge @!p0 [sflag:s0], s1  }
0x18d: {  	s1 =	ssub.s32 @!p0 $0x0, s1;
	[sflag:s0] =	ssyncset.done @!p0 $0x0  }
0x18e: {  	[sflag:s0] =	ssyncadd.s32 @!p0 s1  }
0x18f: {  	[bflag:$0x3] =	sbarrier.arrive $0xFFFF  }
0x190: {  	_ =	shalt  }

</sc_bundles>
